<compile_context>
chip_gen: v7x
topology: tpu7x:2x2x1
jax: 0.10.2.dev20260603
libtpu: 0.0.44.dev20260713+nightly
codegen_flags: <defaults>
</compile_context>

<pallas_src>
import functools

import jax
import jax.numpy as jnp
from jax import lax
from jax.experimental import pallas as pl
from jax.experimental.pallas import tpu as pltpu
from jax.experimental.pallas import tpu_sc as plsc

N = 10000
E = 320000
C = 128
H = 4 * C
FCO = 16 * C
OUT = 128

NC = 2
NS = 16
CH = C // NC
BLK = 80
EPT = E // NS
NBLK = EPT // BLK
NBUF = 6
NMAIN = (NBLK // NBUF) * NBUF
RPT = N // NS

ROWS = 2000
GRID = N // ROWS


def _edge_agg_kernel(xcat_hbm, src0_hbm, src1_hbm, dst_hbm, zeros_hbm,
                     out_hbm, src_v, dst_v, b0, b1, b2, b3, b4, b5, acc,
                     gs0, gs1, gs2, gs3, gs4, gs5,
                     ss0, ss1, ss2, ss3, ss4, ss5):
    c = lax.axis_index("c")
    s = lax.axis_index("s")
    bufs = (b0, b1, b2, b3, b4, b5)
    gsem = (gs0, gs1, gs2, gs3, gs4, gs5)
    ssem = (ss0, ss1, ss2, ss3, ss4, ss5)
    G = NBUF // 2

    pltpu.sync_copy(zeros_hbm, acc.at[pl.ds(s * RPT, RPT)])

    @pl.when(s == 0)
    def _():
        pltpu.sync_copy(zeros_hbm.at[pl.ds(0, 8)], acc.at[pl.ds(N, 8)])

    @pl.when(c == 0)
    def _():
        pltpu.sync_copy(src0_hbm.at[s], src_v)

    @pl.when(c == 1)
    def _():
        pltpu.sync_copy(src1_hbm.at[s], src_v)

    pltpu.sync_copy(dst_hbm.at[s], dst_v)
    plsc.subcore_barrier()

    def gather(j, u):
        pltpu.async_copy(xcat_hbm.at[src_v.at[j]], bufs[u], gsem[u])

    def wait_gather(u):
        pltpu.make_async_copy(xcat_hbm.at[src_v.at[0]], bufs[u],
                              gsem[u]).wait()

    def scatter(j, u):
        pltpu.async_copy(bufs[u], acc.at[dst_v.at[j]], ssem[u], add=True)

    def wait_scatter(u):
        pltpu.make_async_copy(bufs[u], acc.at[dst_v.at[0]], ssem[u]).wait()

    def slot(j, u):
        wait_gather(u)
        scatter(j, u)
        w = (u + G) % NBUF

        @pl.when(j - G >= 0)
        def _():
            wait_scatter(w)

        @pl.when(j + G < NBLK)
        def _():
            gather(j + G, w)

    for u in range(G):
        gather(u, u)

    def body(i, carry):
        j0 = NBUF * i
        for u in range(NBUF):
            slot(j0 + u, u)
        return carry

    lax.fori_loop(0, NMAIN // NBUF, body, 0)
    for j in range(NMAIN, NBLK):
        slot(j, j % NBUF)
    for j in range(NBLK - G, NBLK):
        wait_scatter(j % NBUF)

    plsc.subcore_barrier()
    pltpu.sync_copy(acc.at[pl.ds(s * RPT, RPT)], out_hbm.at[c, s])


def _edge_agg(xcat, src0, src1, dst3, zeros):
    mesh = plsc.VectorSubcoreMesh(core_axis_name="c", subcore_axis_name="s")
    return pl.kernel(
        _edge_agg_kernel,
        out_type=jax.ShapeDtypeStruct((NC, NS, RPT, CH), jnp.float32),
        mesh=mesh,
        compiler_params=pltpu.CompilerParams(use_tc_tiling_on_sc=False),
        scratch_types=(
            [pltpu.VMEM((NBLK, BLK), jnp.int32)] * 2
            + [pltpu.VMEM((BLK, CH), jnp.float32)] * NBUF
            + [pltpu.VMEM_SHARED((N + 8, CH), jnp.float32)]
            + [pltpu.SemaphoreType.DMA] * (2 * NBUF)
        ),
    )(xcat, src0, src1, dst3, zeros)


def _pre_dots(h_bf, w1a_ref, b1a_ref, w2a_ref, b2a_ref):
    bf = jnp.bfloat16
    pre1 = jnp.dot(h_bf, w1a_ref[...].astype(bf),
                   preferred_element_type=jnp.float32) + b1a_ref[...]
    pre2 = jnp.dot(h_bf, w2a_ref[...].astype(bf),
                   preferred_element_type=jnp.float32) + b2a_ref[...]
    return pre1, pre2


def _stats_kernel(x_ref, agg_ref, w1a_ref, b1a_ref, w2a_ref, b2a_ref,
                  h_ref, stats_ref):
    h = x_ref[...] + agg_ref[...]
    h_ref[...] = h
    pre1, pre2 = _pre_dots(h.astype(jnp.bfloat16),
                           w1a_ref, b1a_ref, w2a_ref, b2a_ref)
    blk = jnp.concatenate([
        jnp.sum(pre1, axis=0, keepdims=True),
        jnp.sum(pre1 * pre1, axis=0, keepdims=True),
        jnp.sum(pre2, axis=0, keepdims=True),
        jnp.sum(pre2 * pre2, axis=0, keepdims=True),
        jnp.zeros((4, H), jnp.float32),
    ], axis=0)

    @pl.when(pl.program_id(0) == 0)
    def _():
        stats_ref[...] = jnp.zeros_like(stats_ref)

    stats_ref[...] += blk


def _stats(x, agg, w1a, b1a, w2a, b2a):
    return pl.pallas_call(
        _stats_kernel,
        grid=(GRID,),
        in_specs=[
            pl.BlockSpec((ROWS, C), lambda i: (i, 0)),
            pl.BlockSpec((ROWS, C), lambda i: (i, 0)),
            pl.BlockSpec((C, H), lambda i: (0, 0)),
            pl.BlockSpec((1, H), lambda i: (0, 0)),
            pl.BlockSpec((C, H), lambda i: (0, 0)),
            pl.BlockSpec((1, H), lambda i: (0, 0)),
        ],
        out_specs=[
            pl.BlockSpec((ROWS, C), lambda i: (i, 0)),
            pl.BlockSpec((8, H), lambda i: (0, 0)),
        ],
        out_shape=[
            jax.ShapeDtypeStruct((N, C), jnp.float32),
            jax.ShapeDtypeStruct((8, H), jnp.float32),
        ],
    )(x, agg, w1a, b1a, w2a, b2a)


def _mm_kernel(a_ref, b_ref, o_ref):
    o_ref[...] = jnp.dot(a_ref[...], b_ref[...],
                         preferred_element_type=jnp.float32)


def _mm_rows(a, b, blk_rows):
    m, k = a.shape
    _, n = b.shape
    return pl.pallas_call(
        _mm_kernel,
        grid=(m // blk_rows,),
        in_specs=[
            pl.BlockSpec((blk_rows, k), lambda i: (i, 0)),
            pl.BlockSpec((k, n), lambda i: (0, 0)),
        ],
        out_specs=pl.BlockSpec((blk_rows, n), lambda i: (i, 0)),
        out_shape=jax.ShapeDtypeStruct((m, n), jnp.float32),
    )(a, b)


def _wc_kernel(l1w_ref, m_ref, l1b_ref, l2b_ref, ow_ref, ob_ref,
               wc_ref, bc_ref):
    wc_ref[...] = jnp.dot(l1w_ref[...], m_ref[...],
                          preferred_element_type=jnp.float32)

    @pl.when(pl.program_id(0) == 0)
    def _():
        t = jnp.dot(l1b_ref[...], m_ref[...],
                    preferred_element_type=jnp.float32)
        t += jnp.dot(l2b_ref[...], ow_ref[...],
                     preferred_element_type=jnp.float32)
        bc_ref[...] = t + ob_ref[...]


def _compose_wc(l1_w, m, l1_b, l2_b, out_w, out_b, blk_rows=512):
    k = l1_w.shape[1]
    return pl.pallas_call(
        _wc_kernel,
        grid=(l1_w.shape[0] // blk_rows,),
        in_specs=[
            pl.BlockSpec((blk_rows, k), lambda i: (i, 0)),
            pl.BlockSpec((k, OUT), lambda i: (0, 0)),
            pl.BlockSpec((1, k), lambda i: (0, 0)),
            pl.BlockSpec((1, FCO), lambda i: (0, 0)),
            pl.BlockSpec((FCO, OUT), lambda i: (0, 0)),
            pl.BlockSpec((1, OUT), lambda i: (0, 0)),
        ],
        out_specs=[
            pl.BlockSpec((blk_rows, OUT), lambda i: (i, 0)),
            pl.BlockSpec((1, OUT), lambda i: (0, 0)),
        ],
        out_shape=[
            jax.ShapeDtypeStruct((l1_w.shape[0], OUT), jnp.float32),
            jax.ShapeDtypeStruct((1, OUT), jnp.float32),
        ],
    )(l1_w, m, l1_b, l2_b, out_w, out_b)


def _head_kernel(h_ref, stats_ref, w1a_ref, b1a_ref, w2a_ref, b2a_ref,
                 g1_ref, be1_ref, g2_ref, be2_ref,
                 w1b_ref, b1b_ref, w2b_ref, b2b_ref,
                 fcw_ref, fcbias_ref, wc_ref, bc_ref, out_ref):
    st = stats_ref[...]
    inv_n = 1.0 / N
    mu1 = st[0:1] * inv_n
    var1 = st[1:2] * inv_n - mu1 * mu1
    a1 = g1_ref[...] * lax.rsqrt(var1 + 1e-5)
    c1 = be1_ref[...] - mu1 * a1
    mu2 = st[2:3] * inv_n
    var2 = st[3:4] * inv_n - mu2 * mu2
    a2 = g2_ref[...] * lax.rsqrt(var2 + 1e-5)
    c2 = be2_ref[...] - mu2 * a2

    bf = jnp.bfloat16
    pre1, pre2 = _pre_dots(h_ref[...].astype(bf),
                           w1a_ref, b1a_ref, w2a_ref, b2a_ref)
    n1 = jnp.maximum(pre1 * a1 + c1, 0.0)
    x1 = jnp.dot(n1.astype(bf), w1b_ref[...].astype(bf),
                 preferred_element_type=jnp.float32)
    x1 = jnp.maximum(x1 + b1b_ref[...], 0.0)
    n2 = jnp.maximum(pre2 * a2 + c2, 0.0)
    x2 = jnp.dot(n2.astype(bf), w2b_ref[...].astype(bf),
                 preferred_element_type=jnp.float32)
    x2 = jnp.maximum(x2 + b2b_ref[...], 0.0)

    xc = jnp.concatenate([x1, x2], axis=1).astype(bf)
    t = jnp.dot(xc, fcw_ref[...].astype(bf),
                preferred_element_type=jnp.float32)
    t += fcbias_ref[...]
    t = jnp.where(t > 0, t, 0.01 * t)

    o = jnp.dot(t.astype(bf), wc_ref[...].astype(bf),
                preferred_element_type=jnp.float32)
    o = o + bc_ref[...]
    out_ref[...] = 1.0 / (1.0 + jnp.exp(-o))


def _head(h, stats, w1a, b1a, w2a, b2a, g1, be1, g2, be2,
          w1b, b1b, w2b, b2b, fc_w, fc_b, wc, bc):
    vec = lambda n: pl.BlockSpec((1, n), lambda i: (0, 0))
    return pl.pallas_call(
        _head_kernel,
        grid=(GRID,),
        in_specs=[
            pl.BlockSpec((ROWS, C), lambda i: (i, 0)),
            pl.BlockSpec((8, H), lambda i: (0, 0)),
            pl.BlockSpec((C, H), lambda i: (0, 0)), vec(H),
            pl.BlockSpec((C, H), lambda i: (0, 0)), vec(H),
            vec(H), vec(H), vec(H), vec(H),
            pl.BlockSpec((H, H), lambda i: (0, 0)), vec(H),
            pl.BlockSpec((H, H), lambda i: (0, 0)), vec(H),
            pl.BlockSpec((2 * H, FCO), lambda i: (0, 0)),
            vec(FCO),
            pl.BlockSpec((FCO, OUT), lambda i: (0, 0)),
            vec(OUT),
        ],
        out_specs=pl.BlockSpec((ROWS, OUT), lambda i: (i, 0)),
        out_shape=jax.ShapeDtypeStruct((N, OUT), jnp.float32),
    )(h, stats, w1a, b1a, w2a, b2a, g1, be1, g2, be2,
      w1b, b1b, w2b, b2b, fc_w, fc_b, wc, bc)


def kernel(x, edge_index, batch,
           w1a, b1a, g1, be1, w1b, b1b,
           w2a, b2a, g2, be2, w2b, b2b,
           fc_w, fc_b, l1_w, l1_b, l2_w, l2_b, out_w, out_b):
    del batch

    src0 = (edge_index[0] * 2).reshape(NS, NBLK, BLK)
    src1 = src0 + 1
    dst3 = edge_index[1].reshape(NS, NBLK, BLK)
    xcat = x.reshape(2 * N, CH)
    zeros = jnp.zeros((RPT, CH), jnp.float32)
    halves = _edge_agg(xcat, src0, src1, dst3, zeros)
    agg = jnp.concatenate([halves[0].reshape(N, CH),
                           halves[1].reshape(N, CH)], axis=1)

    row = lambda v: v.reshape(1, -1)
    h, stats = _stats(x, agg, w1a, row(b1a), w2a, row(b2a))

    m = _mm_rows(l2_w, out_w, 512)
    wc, bc = _compose_wc(l1_w, m, row(l1_b), row(l2_b), out_w, row(out_b))

    return _head(h, stats, w1a, row(b1a), w2a, row(b2a),
                 row(g1), row(be1), row(g2), row(be2),
                 w1b, row(b1b), w2b, row(b2b),
                 fc_w, row(fc_b), wc, bc)

# --- scband reference (transcript-rebuilt; emitter-appended) ---
"""Pipeline reference for scband-gcnconv-net-7292854468800 (READ-ONLY COPY).

The authoritative reference and input builder live on the scoring server;
editing this copy changes nothing except your own understanding.
"""

import jax, jax.numpy as jnp
import numpy as np

N = 10000
E = 320000
C = 128
H = 4 * C
OUT = 128

def _linear_init(key, fan_in, fan_out):
    lim = 1.0 / np.sqrt(fan_in)
    kw, kb = jax.random.split(key)
    w = jax.random.uniform(kw, (fan_in, fan_out), minval=-lim, maxval=lim, dtype=jnp.float32)
    b = jax.random.uniform(kb, (fan_out,), minval=-lim, maxval=lim, dtype=jnp.float32)
    return w, b

def setup_inputs(seed: int = 0):
    key = jax.random.key(seed)
    ks = jax.random.split(key, 12)
    x = jax.random.normal(ks[0], (N, C), dtype=jnp.float32)
    edge_index = jax.random.randint(ks[1], (2, E), 0, N)
    batch = jnp.sort(jax.random.randint(ks[2], (N,), 0, 32))
    w1a, b1a = _linear_init(ks[3], C, H)
    g1 = jnp.ones((H,), jnp.float32); be1 = jnp.zeros((H,), jnp.float32)
    w1b, b1b = _linear_init(ks[4], H, H)
    w2a, b2a = _linear_init(ks[5], C, H)
    g2 = jnp.ones((H,), jnp.float32); be2 = jnp.zeros((H,), jnp.float32)
    w2b, b2b = _linear_init(ks[6], H, H)
    fc_w, fc_b = _linear_init(ks[7], 8 * C, 16 * C)
    l1_w, l1_b = _linear_init(ks[8], 16 * C, 32 * C)
    l2_w, l2_b = _linear_init(ks[9], 32 * C, 16 * C)
    out_w, out_b = _linear_init(ks[10], 16 * C, OUT)
    return dict(x=x, edge_index=edge_index, batch=batch,
                w1a=w1a, b1a=b1a, g1=g1, be1=be1, w1b=w1b, b1b=b1b,
                w2a=w2a, b2a=b2a, g2=g2, be2=be2, w2b=w2b, b2b=b2b,
                fc_w=fc_w, fc_b=fc_b, l1_w=l1_w, l1_b=l1_b,
                l2_w=l2_w, l2_b=l2_b, out_w=out_w, out_b=out_b)

def _bn(h, g, b):
    mu = jnp.mean(h, axis=0)
    var = jnp.var(h, axis=0)
    return (h - mu) / jnp.sqrt(var + 1e-5) * g + b

def _gin(x, edge_index, wa, ba, g, b, wb, bb):
    src = edge_index[0]
    dst = edge_index[1]
    agg = jax.ops.segment_sum(x[src], dst, num_segments=x.shape[0])
    h = x + agg  # (1 + eps) * x + sum_{j in N(i)} x_j, eps = 0
    h = h @ wa + ba
    h = jax.nn.relu(_bn(h, g, b))
    h = h @ wb + bb
    return jax.nn.relu(h)

def reference(x, edge_index, batch,
              w1a, b1a, g1, be1, w1b, b1b,
              w2a, b2a, g2, be2, w2b, b2b,
              fc_w, fc_b, l1_w, l1_b, l2_w, l2_b, out_w, out_b):
    x1 = _gin(x, edge_index, w1a, b1a, g1, be1, w1b, b1b)
    x2 = _gin(x, edge_index, w2a, b2a, g2, be2, w2b, b2b)
    h = jnp.concatenate([x1, x2], axis=1)
    h = jax.nn.leaky_relu(h @ fc_w + fc_b, 0.01)
    # dropout in eval mode -> identity
    h = h @ l1_w + l1_b
    h = h @ l2_w + l2_b
    h = h @ out_w + out_b
    return jax.nn.sigmoid(h)

if __name__ == "__main__":
    import jax
    _d = setup_inputs()
    print(jax.jit(kernel)(*tuple(_d.values())))

</pallas_src>

<mosaic_0001>
#map = affine_map<(d0, d1) -> (0, 0)>
#map1 = affine_map<(d0, d1) -> (0, 0, 0)>
#map2 = affine_map<(d0, d1) -> (0, 0, 0, 0)>
module attributes {stable_mosaic.version = 14 : i64} {
  func.func @_edge_agg_kernel(%arg0: i32, %arg1: i32, %arg2: memref<20000x64xf32, #tpu.memory_space<hbm>>, %arg3: memref<16x250x80xi32, #tpu.memory_space<hbm>>, %arg4: memref<16x250x80xi32, #tpu.memory_space<hbm>>, %arg5: memref<16x250x80xi32, #tpu.memory_space<hbm>>, %arg6: memref<625x64xf32, #tpu.memory_space<hbm>>, %arg7: memref<2x16x625x64xf32, #tpu.memory_space<hbm>>, %arg8: memref<250x80xi32, #tpu.memory_space<vmem>>, %arg9: memref<250x80xi32, #tpu.memory_space<vmem>>, %arg10: memref<80x64xf32, #tpu.memory_space<vmem>>, %arg11: memref<80x64xf32, #tpu.memory_space<vmem>>, %arg12: memref<80x64xf32, #tpu.memory_space<vmem>>, %arg13: memref<80x64xf32, #tpu.memory_space<vmem>>, %arg14: memref<80x64xf32, #tpu.memory_space<vmem>>, %arg15: memref<80x64xf32, #tpu.memory_space<vmem>>, %arg16: memref<10008x64xf32, #tpu.memory_space<vmem_shared>>, %arg17: memref<!tpu.dma_semaphore, #tpu.memory_space<semaphore_mem>>, %arg18: memref<!tpu.dma_semaphore, #tpu.memory_space<semaphore_mem>>, %arg19: memref<!tpu.dma_semaphore, #tpu.memory_space<semaphore_mem>>, %arg20: memref<!tpu.dma_semaphore, #tpu.memory_space<semaphore_mem>>, %arg21: memref<!tpu.dma_semaphore, #tpu.memory_space<semaphore_mem>>, %arg22: memref<!tpu.dma_semaphore, #tpu.memory_space<semaphore_mem>>, %arg23: memref<!tpu.dma_semaphore, #tpu.memory_space<semaphore_mem>>, %arg24: memref<!tpu.dma_semaphore, #tpu.memory_space<semaphore_mem>>, %arg25: memref<!tpu.dma_semaphore, #tpu.memory_space<semaphore_mem>>, %arg26: memref<!tpu.dma_semaphore, #tpu.memory_space<semaphore_mem>>, %arg27: memref<!tpu.dma_semaphore, #tpu.memory_space<semaphore_mem>>, %arg28: memref<!tpu.dma_semaphore, #tpu.memory_space<semaphore_mem>>) attributes {dimension_semantics = [#tpu.dimension_semantics<core_parallel>, #tpu.dimension_semantics<subcore_parallel>], iteration_bounds = array<i64: 2, 16>, scalar_prefetch = 0 : i64, scratch_operands = 21 : i64, tpu.core_type = #tpu.core_type<sc_vector_subcore>, window_params = [{transform_indices = #map}, {transform_indices = #map1}, {transform_indices = #map1}, {transform_indices = #map1}, {transform_indices = #map}, {transform_indices = #map2}]} {
    %mul3A = arith.constant 625 : i32
    %mul3A_0 = arith.muli %arg1, %mul3A : i32
    "tpu.region"() ({
      %run_scoped3A = tpu.sem_alloc : memref<!tpu.dma_semaphore, #tpu.memory_space<semaphore_mem>>
      %dma_start3A_152 = arith.constant 0 : i32
      %dma_start3A_153 = tpu.memref_slice %arg16[%mul3A_0, %dma_start3A_152] : memref<10008x64xf32, #tpu.memory_space<vmem_shared>> -> memref<625x64xf32, #tpu.memory_space<vmem_shared>>
      tpu.enqueue_dma source(%arg6 : memref<625x64xf32, #tpu.memory_space<hbm>>) target(%dma_start3A_153 : memref<625x64xf32, #tpu.memory_space<vmem_shared>>) target_semaphore(%run_scoped3A : memref<!tpu.dma_semaphore, #tpu.memory_space<semaphore_mem>>)
      %dma_wait3A_154 = arith.constant 0 : i32
      %dma_wait3A_155 = tpu.memref_slice %arg16[%mul3A_0, %dma_wait3A_154] : memref<10008x64xf32, #tpu.memory_space<vmem_shared>> -> memref<625x64xf32, #tpu.memory_space<vmem_shared>>
      tpu.wait_dma2 semaphore(%run_scoped3A : memref<!tpu.dma_semaphore, #tpu.memory_space<semaphore_mem>>) src(%arg6 : memref<625x64xf32, #tpu.memory_space<hbm>>) dst(%dma_wait3A_155 : memref<625x64xf32, #tpu.memory_space<vmem_shared>>)
      tpu.yield
    }) : () -> ()
    %eq3A = arith.constant 0 : i32
    %eq3A_1 = arith.cmpi eq, %arg1, %eq3A : i32
    %convert_element_type3A = arith.extui %eq3A_1 : i1 to i32
    %cond3A = arith.constant 0 : i32
    %cond3A_2 = arith.cmpi ne, %convert_element_type3A, %cond3A : i32
    scf.if %cond3A_2 {
      "tpu.region"() ({
        %run_scoped3A = tpu.sem_alloc : memref<!tpu.dma_semaphore, #tpu.memory_space<semaphore_mem>>
        %dma_start3A_152 = arith.constant 10000 : i32
        %dma_start3A_153 = arith.constant 0 : i32
        %dma_start3A_154 = tpu.memref_slice %arg16[%dma_start3A_152, %dma_start3A_153] : memref<10008x64xf32, #tpu.memory_space<vmem_shared>> -> memref<8x64xf32, #tpu.memory_space<vmem_shared>>
        %dma_start3A_155 = arith.constant 0 : i32
        %dma_start3A_156 = arith.constant 0 : i32
        %dma_start3A_157 = tpu.memref_slice %arg6[%dma_start3A_155, %dma_start3A_156] : memref<625x64xf32, #tpu.memory_space<hbm>> -> memref<8x64xf32, #tpu.memory_space<hbm>>
        tpu.enqueue_dma source(%dma_start3A_157 : memref<8x64xf32, #tpu.memory_space<hbm>>) target(%dma_start3A_154 : memref<8x64xf32, #tpu.memory_space<vmem_shared>>) target_semaphore(%run_scoped3A : memref<!tpu.dma_semaphore, #tpu.memory_space<semaphore_mem>>)
        %dma_wait3A_158 = arith.constant 10000 : i32
        %dma_wait3A_159 = arith.constant 0 : i32
        %dma_wait3A_160 = tpu.memref_slice %arg16[%dma_wait3A_158, %dma_wait3A_159] : memref<10008x64xf32, #tpu.memory_space<vmem_shared>> -> memref<8x64xf32, #tpu.memory_space<vmem_shared>>
        %dma_wait3A_161 = arith.constant 0 : i32
        %dma_wait3A_162 = arith.constant 0 : i32
        %dma_wait3A_163 = tpu.memref_slice %arg6[%dma_wait3A_161, %dma_wait3A_162] : memref<625x64xf32, #tpu.memory_space<hbm>> -> memref<8x64xf32, #tpu.memory_space<hbm>>
        tpu.wait_dma2 semaphore(%run_scoped3A : memref<!tpu.dma_semaphore, #tpu.memory_space<semaphore_mem>>) src(%dma_wait3A_163 : memref<8x64xf32, #tpu.memory_space<hbm>>) dst(%dma_wait3A_160 : memref<8x64xf32, #tpu.memory_space<vmem_shared>>)
        tpu.yield
      }) : () -> ()
    } else {
    }
    %eq3A_3 = arith.constant 0 : i32
    %eq3A_4 = arith.cmpi eq, %arg0, %eq3A_3 : i32
    %convert_element_type3A_5 = arith.extui %eq3A_4 : i1 to i32
    %cond3A_6 = arith.constant 0 : i32
    %cond3A_7 = arith.cmpi ne, %convert_element_type3A_5, %cond3A_6 : i32
    scf.if %cond3A_7 {
      "tpu.region"() ({
        %run_scoped3A = tpu.sem_alloc : memref<!tpu.dma_semaphore, #tpu.memory_space<semaphore_mem>>
        %dma_start3A_152 = arith.constant 0 : i32
        %dma_start3A_153 = arith.constant 0 : i32
        %dma_start3A_154 = tpu.memref_slice %arg3[%arg1, %dma_start3A_152, %dma_start3A_153] : memref<16x250x80xi32, #tpu.memory_space<hbm>> -> memref<1x250x80xi32, #tpu.memory_space<hbm>>
        %dma_start3A_155 = tpu.memref_squeeze %dma_start3A_154 : memref<1x250x80xi32, #tpu.memory_space<hbm>> -> memref<250x80xi32, #tpu.memory_space<hbm>>
        %dma_start3A_156 = arith.constant 0 : i32
        %dma_start3A_157 = arith.constant 0 : i32
        %dma_start3A_158 = tpu.memref_slice %arg3[%arg1, %dma_start3A_156, %dma_start3A_157] : memref<16x250x80xi32, #tpu.memory_space<hbm>> -> memref<1x250x80xi32, #tpu.memory_space<hbm>>
        %dma_start3A_159 = tpu.memref_squeeze %dma_start3A_158 : memref<1x250x80xi32, #tpu.memory_space<hbm>> -> memref<250x80xi32, #tpu.memory_space<hbm>>
        tpu.enqueue_dma source(%dma_start3A_159 : memref<250x80xi32, #tpu.memory_space<hbm>>) target(%arg8 : memref<250x80xi32, #tpu.memory_space<vmem>>) target_semaphore(%run_scoped3A : memref<!tpu.dma_semaphore, #tpu.memory_space<semaphore_mem>>)
        %dma_wait3A_160 = arith.constant 0 : i32
        %dma_wait3A_161 = arith.constant 0 : i32
        %dma_wait3A_162 = tpu.memref_slice %arg3[%arg1, %dma_wait3A_160, %dma_wait3A_161] : memref<16x250x80xi32, #tpu.memory_space<hbm>> -> memref<1x250x80xi32, #tpu.memory_space<hbm>>
        %dma_wait3A_163 = tpu.memref_squeeze %dma_wait3A_162 : memref<1x250x80xi32, #tpu.memory_space<hbm>> -> memref<250x80xi32, #tpu.memory_space<hbm>>
        %dma_wait3A_164 = arith.constant 0 : i32
        %dma_wait3A_165 = arith.constant 0 : i32
        %dma_wait3A_166 = tpu.memref_slice %arg3[%arg1, %dma_wait3A_164, %dma_wait3A_165] : memref<16x250x80xi32, #tpu.memory_space<hbm>> -> memref<1x250x80xi32, #tpu.memory_space<hbm>>
        %dma_wait3A_167 = tpu.memref_squeeze %dma_wait3A_166 : memref<1x250x80xi32, #tpu.memory_space<hbm>> -> memref<250x80xi32, #tpu.memory_space<hbm>>
        tpu.wait_dma2 semaphore(%run_scoped3A : memref<!tpu.dma_semaphore, #tpu.memory_space<semaphore_mem>>) src(%dma_wait3A_167 : memref<250x80xi32, #tpu.memory_space<hbm>>) dst(%arg8 : memref<250x80xi32, #tpu.memory_space<vmem>>)
        tpu.yield
      }) : () -> ()
    } else {
    }
    %eq3A_8 = arith.constant 1 : i32
    %eq3A_9 = arith.cmpi eq, %arg0, %eq3A_8 : i32
    %convert_element_type3A_10 = arith.extui %eq3A_9 : i1 to i32
    %cond3A_11 = arith.constant 0 : i32
    %cond3A_12 = arith.cmpi ne, %convert_element_type3A_10, %cond3A_11 : i32
    scf.if %cond3A_12 {
      "tpu.region"() ({
        %run_scoped3A = tpu.sem_alloc : memref<!tpu.dma_semaphore, #tpu.memory_space<semaphore_mem>>
        %dma_start3A_152 = arith.constant 0 : i32
        %dma_start3A_153 = arith.constant 0 : i32
        %dma_start3A_154 = tpu.memref_slice %arg4[%arg1, %dma_start3A_152, %dma_start3A_153] : memref<16x250x80xi32, #tpu.memory_space<hbm>> -> memref<1x250x80xi32, #tpu.memory_space<hbm>>
        %dma_start3A_155 = tpu.memref_squeeze %dma_start3A_154 : memref<1x250x80xi32, #tpu.memory_space<hbm>> -> memref<250x80xi32, #tpu.memory_space<hbm>>
        %dma_start3A_156 = arith.constant 0 : i32
        %dma_start3A_157 = arith.constant 0 : i32
        %dma_start3A_158 = tpu.memref_slice %arg4[%arg1, %dma_start3A_156, %dma_start3A_157] : memref<16x250x80xi32, #tpu.memory_space<hbm>> -> memref<1x250x80xi32, #tpu.memory_space<hbm>>
        %dma_start3A_159 = tpu.memref_squeeze %dma_start3A_158 : memref<1x250x80xi32, #tpu.memory_space<hbm>> -> memref<250x80xi32, #tpu.memory_space<hbm>>
        tpu.enqueue_dma source(%dma_start3A_159 : memref<250x80xi32, #tpu.memory_space<hbm>>) target(%arg8 : memref<250x80xi32, #tpu.memory_space<vmem>>) target_semaphore(%run_scoped3A : memref<!tpu.dma_semaphore, #tpu.memory_space<semaphore_mem>>)
        %dma_wait3A_160 = arith.constant 0 : i32
        %dma_wait3A_161 = arith.constant 0 : i32
        %dma_wait3A_162 = tpu.memref_slice %arg4[%arg1, %dma_wait3A_160, %dma_wait3A_161] : memref<16x250x80xi32, #tpu.memory_space<hbm>> -> memref<1x250x80xi32, #tpu.memory_space<hbm>>
        %dma_wait3A_163 = tpu.memref_squeeze %dma_wait3A_162 : memref<1x250x80xi32, #tpu.memory_space<hbm>> -> memref<250x80xi32, #tpu.memory_space<hbm>>
        %dma_wait3A_164 = arith.constant 0 : i32
        %dma_wait3A_165 = arith.constant 0 : i32
        %dma_wait3A_166 = tpu.memref_slice %arg4[%arg1, %dma_wait3A_164, %dma_wait3A_165] : memref<16x250x80xi32, #tpu.memory_space<hbm>> -> memref<1x250x80xi32, #tpu.memory_space<hbm>>
        %dma_wait3A_167 = tpu.memref_squeeze %dma_wait3A_166 : memref<1x250x80xi32, #tpu.memory_space<hbm>> -> memref<250x80xi32, #tpu.memory_space<hbm>>
        tpu.wait_dma2 semaphore(%run_scoped3A : memref<!tpu.dma_semaphore, #tpu.memory_space<semaphore_mem>>) src(%dma_wait3A_167 : memref<250x80xi32, #tpu.memory_space<hbm>>) dst(%arg8 : memref<250x80xi32, #tpu.memory_space<vmem>>)
        tpu.yield
      }) : () -> ()
    } else {
    }
    "tpu.region"() ({
      %run_scoped3A = tpu.sem_alloc : memref<!tpu.dma_semaphore, #tpu.memory_space<semaphore_mem>>
      %dma_start3A_152 = arith.constant 0 : i32
      %dma_start3A_153 = arith.constant 0 : i32
      %dma_start3A_154 = tpu.memref_slice %arg5[%arg1, %dma_start3A_152, %dma_start3A_153] : memref<16x250x80xi32, #tpu.memory_space<hbm>> -> memref<1x250x80xi32, #tpu.memory_space<hbm>>
      %dma_start3A_155 = tpu.memref_squeeze %dma_start3A_154 : memref<1x250x80xi32, #tpu.memory_space<hbm>> -> memref<250x80xi32, #tpu.memory_space<hbm>>
      %dma_start3A_156 = arith.constant 0 : i32
      %dma_start3A_157 = arith.constant 0 : i32
      %dma_start3A_158 = tpu.memref_slice %arg5[%arg1, %dma_start3A_156, %dma_start3A_157] : memref<16x250x80xi32, #tpu.memory_space<hbm>> -> memref<1x250x80xi32, #tpu.memory_space<hbm>>
      %dma_start3A_159 = tpu.memref_squeeze %dma_start3A_158 : memref<1x250x80xi32, #tpu.memory_space<hbm>> -> memref<250x80xi32, #tpu.memory_space<hbm>>
      tpu.enqueue_dma source(%dma_start3A_159 : memref<250x80xi32, #tpu.memory_space<hbm>>) target(%arg9 : memref<250x80xi32, #tpu.memory_space<vmem>>) target_semaphore(%run_scoped3A : memref<!tpu.dma_semaphore, #tpu.memory_space<semaphore_mem>>)
      %dma_wait3A_160 = arith.constant 0 : i32
      %dma_wait3A_161 = arith.constant 0 : i32
      %dma_wait3A_162 = tpu.memref_slice %arg5[%arg1, %dma_wait3A_160, %dma_wait3A_161] : memref<16x250x80xi32, #tpu.memory_space<hbm>> -> memref<1x250x80xi32, #tpu.memory_space<hbm>>
      %dma_wait3A_163 = tpu.memref_squeeze %dma_wait3A_162 : memref<1x250x80xi32, #tpu.memory_space<hbm>> -> memref<250x80xi32, #tpu.memory_space<hbm>>
      %dma_wait3A_164 = arith.constant 0 : i32
      %dma_wait3A_165 = arith.constant 0 : i32
      %dma_wait3A_166 = tpu.memref_slice %arg5[%arg1, %dma_wait3A_164, %dma_wait3A_165] : memref<16x250x80xi32, #tpu.memory_space<hbm>> -> memref<1x250x80xi32, #tpu.memory_space<hbm>>
      %dma_wait3A_167 = tpu.memref_squeeze %dma_wait3A_166 : memref<1x250x80xi32, #tpu.memory_space<hbm>> -> memref<250x80xi32, #tpu.memory_space<hbm>>
      tpu.wait_dma2 semaphore(%run_scoped3A : memref<!tpu.dma_semaphore, #tpu.memory_space<semaphore_mem>>) src(%dma_wait3A_167 : memref<250x80xi32, #tpu.memory_space<hbm>>) dst(%arg9 : memref<250x80xi32, #tpu.memory_space<vmem>>)
      tpu.yield
    }) : () -> ()
    %barrier3A = arith.constant 0 : index
    tpu.barrier barrier_id(%barrier3A)
    %dma_start3A = arith.constant 0 : i32
    %dma_start3A_13 = arith.constant 0 : i32
    %dma_start3A_14 = tpu.memref_slice %arg8[%dma_start3A, %dma_start3A_13] : memref<250x80xi32, #tpu.memory_space<vmem>> -> memref<1x80xi32, #tpu.memory_space<vmem>>
    %dma_start3A_15 = tpu.memref_squeeze %dma_start3A_14 : memref<1x80xi32, #tpu.memory_space<vmem>> -> memref<80xi32, #tpu.memory_space<vmem>>
    %dma_start3A_16 = arith.constant 0 : i32
    %dma_start3A_17 = arith.constant 0 : i32
    %dma_start3A_18 = tpu.memref_slice %arg2[%dma_start3A_16, %dma_start3A_17] : memref<20000x64xf32, #tpu.memory_space<hbm>> -> memref<20000x64xf32, #tpu.memory_space<hbm>>
    tpu.enqueue_indirect_dma source(%dma_start3A_18 : memref<20000x64xf32, #tpu.memory_space<hbm>>) target(%arg10 : memref<80x64xf32, #tpu.memory_space<vmem>>) offsets(%dma_start3A_15 : memref<80xi32, #tpu.memory_space<vmem>>) semaphore(%arg17 : memref<!tpu.dma_semaphore, #tpu.memory_space<semaphore_mem>>)
    %dma_start3A_19 = arith.constant 1 : i32
    %dma_start3A_20 = arith.constant 0 : i32
    %dma_start3A_21 = tpu.memref_slice %arg8[%dma_start3A_19, %dma_start3A_20] : memref<250x80xi32, #tpu.memory_space<vmem>> -> memref<1x80xi32, #tpu.memory_space<vmem>>
    %dma_start3A_22 = tpu.memref_squeeze %dma_start3A_21 : memref<1x80xi32, #tpu.memory_space<vmem>> -> memref<80xi32, #tpu.memory_space<vmem>>
    %dma_start3A_23 = arith.constant 0 : i32
    %dma_start3A_24 = arith.constant 0 : i32
    %dma_start3A_25 = tpu.memref_slice %arg2[%dma_start3A_23, %dma_start3A_24] : memref<20000x64xf32, #tpu.memory_space<hbm>> -> memref<20000x64xf32, #tpu.memory_space<hbm>>
    tpu.enqueue_indirect_dma source(%dma_start3A_25 : memref<20000x64xf32, #tpu.memory_space<hbm>>) target(%arg11 : memref<80x64xf32, #tpu.memory_space<vmem>>) offsets(%dma_start3A_22 : memref<80xi32, #tpu.memory_space<vmem>>) semaphore(%arg18 : memref<!tpu.dma_semaphore, #tpu.memory_space<semaphore_mem>>)
    %dma_start3A_26 = arith.constant 2 : i32
    %dma_start3A_27 = arith.constant 0 : i32
    %dma_start3A_28 = tpu.memref_slice %arg8[%dma_start3A_26, %dma_start3A_27] : memref<250x80xi32, #tpu.memory_space<vmem>> -> memref<1x80xi32, #tpu.memory_space<vmem>>
    %dma_start3A_29 = tpu.memref_squeeze %dma_start3A_28 : memref<1x80xi32, #tpu.memory_space<vmem>> -> memref<80xi32, #tpu.memory_space<vmem>>
    %dma_start3A_30 = arith.constant 0 : i32
    %dma_start3A_31 = arith.constant 0 : i32
    %dma_start3A_32 = tpu.memref_slice %arg2[%dma_start3A_30, %dma_start3A_31] : memref<20000x64xf32, #tpu.memory_space<hbm>> -> memref<20000x64xf32, #tpu.memory_space<hbm>>
    tpu.enqueue_indirect_dma source(%dma_start3A_32 : memref<20000x64xf32, #tpu.memory_space<hbm>>) target(%arg12 : memref<80x64xf32, #tpu.memory_space<vmem>>) offsets(%dma_start3A_29 : memref<80xi32, #tpu.memory_space<vmem>>) semaphore(%arg19 : memref<!tpu.dma_semaphore, #tpu.memory_space<semaphore_mem>>)
    %scan3A = arith.constant 0 : i32
    %scan3A_33 = arith.constant 0 : i32
    %scan3A_34 = arith.constant 41 : i32
    %scan3A_35 = arith.addi %scan3A_33, %scan3A_34 : i32
    %scan3A_36 = arith.constant 1 : i32
    scf.for %scan3A_152 = %scan3A_33 to %scan3A_35 step %scan3A_36  : i32 {
      %mul3A_153 = arith.constant 6 : i32
      %mul3A_154 = arith.muli %mul3A_153, %scan3A_152 : i32
      %add3A = arith.constant 0 : i32
      %add3A_155 = arith.addi %mul3A_154, %add3A : i32
      %dma_wait3A_156 = arith.constant 0 : i32
      %dma_wait3A_157 = arith.constant 0 : i32
      %dma_wait3A_158 = tpu.memref_slice %arg8[%dma_wait3A_156, %dma_wait3A_157] : memref<250x80xi32, #tpu.memory_space<vmem>> -> memref<1x80xi32, #tpu.memory_space<vmem>>
      %dma_wait3A_159 = tpu.memref_squeeze %dma_wait3A_158 : memref<1x80xi32, #tpu.memory_space<vmem>> -> memref<80xi32, #tpu.memory_space<vmem>>
      %dma_wait3A_160 = arith.constant 0 : i32
      %dma_wait3A_161 = arith.constant 0 : i32
      %dma_wait3A_162 = tpu.memref_slice %arg2[%dma_wait3A_160, %dma_wait3A_161] : memref<20000x64xf32, #tpu.memory_space<hbm>> -> memref<20000x64xf32, #tpu.memory_space<hbm>>
      tpu.wait_indirect_dma semaphore(%arg17 : memref<!tpu.dma_semaphore, #tpu.memory_space<semaphore_mem>>) src(%dma_wait3A_162 : memref<20000x64xf32, #tpu.memory_space<hbm>>) dst(%arg10 : memref<80x64xf32, #tpu.memory_space<vmem>>)
      %dma_start3A_163 = arith.constant 0 : i32
      %dma_start3A_164 = tpu.memref_slice %arg9[%add3A_155, %dma_start3A_163] : memref<250x80xi32, #tpu.memory_space<vmem>> -> memref<1x80xi32, #tpu.memory_space<vmem>>
      %dma_start3A_165 = tpu.memref_squeeze %dma_start3A_164 : memref<1x80xi32, #tpu.memory_space<vmem>> -> memref<80xi32, #tpu.memory_space<vmem>>
      %dma_start3A_166 = arith.constant 0 : i32
      %dma_start3A_167 = arith.constant 0 : i32
      %dma_start3A_168 = tpu.memref_slice %arg16[%dma_start3A_166, %dma_start3A_167] : memref<10008x64xf32, #tpu.memory_space<vmem_shared>> -> memref<10008x64xf32, #tpu.memory_space<vmem_shared>>
      tpu.enqueue_indirect_dma source(%arg10 : memref<80x64xf32, #tpu.memory_space<vmem>>) target(%dma_start3A_168 : memref<10008x64xf32, #tpu.memory_space<vmem_shared>>) offsets(%dma_start3A_165 : memref<80xi32, #tpu.memory_space<vmem>>) semaphore(%arg23 : memref<!tpu.dma_semaphore, #tpu.memory_space<semaphore_mem>>) {add = true}
      %sub3A = arith.constant 3 : i32
      %sub3A_169 = arith.subi %add3A_155, %sub3A : i32
      %ge3A = arith.constant 0 : i32
      %ge3A_170 = arith.cmpi sge, %sub3A_169, %ge3A : i32
      %convert_element_type3A_171 = arith.extui %ge3A_170 : i1 to i32
      %cond3A_172 = arith.constant 0 : i32
      %cond3A_173 = arith.cmpi ne, %convert_element_type3A_171, %cond3A_172 : i32
      scf.if %cond3A_173 {
        %dma_wait3A_325 = arith.constant 0 : i32
        %dma_wait3A_326 = arith.constant 0 : i32
        %dma_wait3A_327 = tpu.memref_slice %arg9[%dma_wait3A_325, %dma_wait3A_326] : memref<250x80xi32, #tpu.memory_space<vmem>> -> memref<1x80xi32, #tpu.memory_space<vmem>>
        %dma_wait3A_328 = tpu.memref_squeeze %dma_wait3A_327 : memref<1x80xi32, #tpu.memory_space<vmem>> -> memref<80xi32, #tpu.memory_space<vmem>>
        %dma_wait3A_329 = arith.constant 0 : i32
        %dma_wait3A_330 = arith.constant 0 : i32
        %dma_wait3A_331 = tpu.memref_slice %arg16[%dma_wait3A_329, %dma_wait3A_330] : memref<10008x64xf32, #tpu.memory_space<vmem_shared>> -> memref<10008x64xf32, #tpu.memory_space<vmem_shared>>
        tpu.wait_indirect_dma semaphore(%arg26 : memref<!tpu.dma_semaphore, #tpu.memory_space<semaphore_mem>>) src(%arg13 : memref<80x64xf32, #tpu.memory_space<vmem>>) dst(%dma_wait3A_331 : memref<10008x64xf32, #tpu.memory_space<vmem_shared>>)
      } else {
      }
      %add3A_174 = arith.constant 3 : i32
      %add3A_175 = arith.addi %add3A_155, %add3A_174 : i32
      %lt3A = arith.constant 250 : i32
      %lt3A_176 = arith.cmpi slt, %add3A_175, %lt3A : i32
      %convert_element_type3A_177 = arith.extui %lt3A_176 : i1 to i32
      %cond3A_178 = arith.constant 0 : i32
      %cond3A_179 = arith.cmpi ne, %convert_element_type3A_177, %cond3A_178 : i32
      scf.if %cond3A_179 {
        %add3A_325 = arith.constant 3 : i32
        %add3A_326 = arith.addi %add3A_155, %add3A_325 : i32
        %dma_start3A_327 = arith.constant 0 : i32
        %dma_start3A_328 = tpu.memref_slice %arg8[%add3A_326, %dma_start3A_327] : memref<250x80xi32, #tpu.memory_space<vmem>> -> memref<1x80xi32, #tpu.memory_space<vmem>>
        %dma_start3A_329 = tpu.memref_squeeze %dma_start3A_328 : memref<1x80xi32, #tpu.memory_space<vmem>> -> memref<80xi32, #tpu.memory_space<vmem>>
        %dma_start3A_330 = arith.constant 0 : i32
        %dma_start3A_331 = arith.constant 0 : i32
        %dma_start3A_332 = tpu.memref_slice %arg2[%dma_start3A_330, %dma_start3A_331] : memref<20000x64xf32, #tpu.memory_space<hbm>> -> memref<20000x64xf32, #tpu.memory_space<hbm>>
        tpu.enqueue_indirect_dma source(%dma_start3A_332 : memref<20000x64xf32, #tpu.memory_space<hbm>>) target(%arg13 : memref<80x64xf32, #tpu.memory_space<vmem>>) offsets(%dma_start3A_329 : memref<80xi32, #tpu.memory_space<vmem>>) semaphore(%arg20 : memref<!tpu.dma_semaphore, #tpu.memory_space<semaphore_mem>>)
      } else {
      }
      %add3A_180 = arith.constant 1 : i32
      %add3A_181 = arith.addi %mul3A_154, %add3A_180 : i32
      %dma_wait3A_182 = arith.constant 0 : i32
      %dma_wait3A_183 = arith.constant 0 : i32
      %dma_wait3A_184 = tpu.memref_slice %arg8[%dma_wait3A_182, %dma_wait3A_183] : memref<250x80xi32, #tpu.memory_space<vmem>> -> memref<1x80xi32, #tpu.memory_space<vmem>>
      %dma_wait3A_185 = tpu.memref_squeeze %dma_wait3A_184 : memref<1x80xi32, #tpu.memory_space<vmem>> -> memref<80xi32, #tpu.memory_space<vmem>>
      %dma_wait3A_186 = arith.constant 0 : i32
      %dma_wait3A_187 = arith.constant 0 : i32
      %dma_wait3A_188 = tpu.memref_slice %arg2[%dma_wait3A_186, %dma_wait3A_187] : memref<20000x64xf32, #tpu.memory_space<hbm>> -> memref<20000x64xf32, #tpu.memory_space<hbm>>
      tpu.wait_indirect_dma semaphore(%arg18 : memref<!tpu.dma_semaphore, #tpu.memory_space<semaphore_mem>>) src(%dma_wait3A_188 : memref<20000x64xf32, #tpu.memory_space<hbm>>) dst(%arg11 : memref<80x64xf32, #tpu.memory_space<vmem>>)
      %dma_start3A_189 = arith.constant 0 : i32
      %dma_start3A_190 = tpu.memref_slice %arg9[%add3A_181, %dma_start3A_189] : memref<250x80xi32, #tpu.memory_space<vmem>> -> memref<1x80xi32, #tpu.memory_space<vmem>>
      %dma_start3A_191 = tpu.memref_squeeze %dma_start3A_190 : memref<1x80xi32, #tpu.memory_space<vmem>> -> memref<80xi32, #tpu.memory_space<vmem>>
      %dma_start3A_192 = arith.constant 0 : i32
      %dma_start3A_193 = arith.constant 0 : i32
      %dma_start3A_194 = tpu.memref_slice %arg16[%dma_start3A_192, %dma_start3A_193] : memref<10008x64xf32, #tpu.memory_space<vmem_shared>> -> memref<10008x64xf32, #tpu.memory_space<vmem_shared>>
      tpu.enqueue_indirect_dma source(%arg11 : memref<80x64xf32, #tpu.memory_space<vmem>>) target(%dma_start3A_194 : memref<10008x64xf32, #tpu.memory_space<vmem_shared>>) offsets(%dma_start3A_191 : memref<80xi32, #tpu.memory_space<vmem>>) semaphore(%arg24 : memref<!tpu.dma_semaphore, #tpu.memory_space<semaphore_mem>>) {add = true}
      %sub3A_195 = arith.constant 3 : i32
      %sub3A_196 = arith.subi %add3A_181, %sub3A_195 : i32
      %ge3A_197 = arith.constant 0 : i32
      %ge3A_198 = arith.cmpi sge, %sub3A_196, %ge3A_197 : i32
      %convert_element_type3A_199 = arith.extui %ge3A_198 : i1 to i32
      %cond3A_200 = arith.constant 0 : i32
      %cond3A_201 = arith.cmpi ne, %convert_element_type3A_199, %cond3A_200 : i32
      scf.if %cond3A_201 {
        %dma_wait3A_325 = arith.constant 0 : i32
        %dma_wait3A_326 = arith.constant 0 : i32
        %dma_wait3A_327 = tpu.memref_slice %arg9[%dma_wait3A_325, %dma_wait3A_326] : memref<250x80xi32, #tpu.memory_space<vmem>> -> memref<1x80xi32, #tpu.memory_space<vmem>>
        %dma_wait3A_328 = tpu.memref_squeeze %dma_wait3A_327 : memref<1x80xi32, #tpu.memory_space<vmem>> -> memref<80xi32, #tpu.memory_space<vmem>>
        %dma_wait3A_329 = arith.constant 0 : i32
        %dma_wait3A_330 = arith.constant 0 : i32
        %dma_wait3A_331 = tpu.memref_slice %arg16[%dma_wait3A_329, %dma_wait3A_330] : memref<10008x64xf32, #tpu.memory_space<vmem_shared>> -> memref<10008x64xf32, #tpu.memory_space<vmem_shared>>
        tpu.wait_indirect_dma semaphore(%arg27 : memref<!tpu.dma_semaphore, #tpu.memory_space<semaphore_mem>>) src(%arg14 : memref<80x64xf32, #tpu.memory_space<vmem>>) dst(%dma_wait3A_331 : memref<10008x64xf32, #tpu.memory_space<vmem_shared>>)
      } else {
      }
      %add3A_202 = arith.constant 3 : i32
      %add3A_203 = arith.addi %add3A_181, %add3A_202 : i32
      %lt3A_204 = arith.constant 250 : i32
      %lt3A_205 = arith.cmpi slt, %add3A_203, %lt3A_204 : i32
      %convert_element_type3A_206 = arith.extui %lt3A_205 : i1 to i32
      %cond3A_207 = arith.constant 0 : i32
      %cond3A_208 = arith.cmpi ne, %convert_element_type3A_206, %cond3A_207 : i32
      scf.if %cond3A_208 {
        %add3A_325 = arith.constant 3 : i32
        %add3A_326 = arith.addi %add3A_181, %add3A_325 : i32
        %dma_start3A_327 = arith.constant 0 : i32
        %dma_start3A_328 = tpu.memref_slice %arg8[%add3A_326, %dma_start3A_327] : memref<250x80xi32, #tpu.memory_space<vmem>> -> memref<1x80xi32, #tpu.memory_space<vmem>>
        %dma_start3A_329 = tpu.memref_squeeze %dma_start3A_328 : memref<1x80xi32, #tpu.memory_space<vmem>> -> memref<80xi32, #tpu.memory_space<vmem>>
        %dma_start3A_330 = arith.constant 0 : i32
        %dma_start3A_331 = arith.constant 0 : i32
        %dma_start3A_332 = tpu.memref_slice %arg2[%dma_start3A_330, %dma_start3A_331] : memref<20000x64xf32, #tpu.memory_space<hbm>> -> memref<20000x64xf32, #tpu.memory_space<hbm>>
        tpu.enqueue_indirect_dma source(%dma_start3A_332 : memref<20000x64xf32, #tpu.memory_space<hbm>>) target(%arg14 : memref<80x64xf32, #tpu.memory_space<vmem>>) offsets(%dma_start3A_329 : memref<80xi32, #tpu.memory_space<vmem>>) semaphore(%arg21 : memref<!tpu.dma_semaphore, #tpu.memory_space<semaphore_mem>>)
      } else {
      }
      %add3A_209 = arith.constant 2 : i32
      %add3A_210 = arith.addi %mul3A_154, %add3A_209 : i32
      %dma_wait3A_211 = arith.constant 0 : i32
      %dma_wait3A_212 = arith.constant 0 : i32
      %dma_wait3A_213 = tpu.memref_slice %arg8[%dma_wait3A_211, %dma_wait3A_212] : memref<250x80xi32, #tpu.memory_space<vmem>> -> memref<1x80xi32, #tpu.memory_space<vmem>>
      %dma_wait3A_214 = tpu.memref_squeeze %dma_wait3A_213 : memref<1x80xi32, #tpu.memory_space<vmem>> -> memref<80xi32, #tpu.memory_space<vmem>>
      %dma_wait3A_215 = arith.constant 0 : i32
      %dma_wait3A_216 = arith.constant 0 : i32
      %dma_wait3A_217 = tpu.memref_slice %arg2[%dma_wait3A_215, %dma_wait3A_216] : memref<20000x64xf32, #tpu.memory_space<hbm>> -> memref<20000x64xf32, #tpu.memory_space<hbm>>
      tpu.wait_indirect_dma semaphore(%arg19 : memref<!tpu.dma_semaphore, #tpu.memory_space<semaphore_mem>>) src(%dma_wait3A_217 : memref<20000x64xf32, #tpu.memory_space<hbm>>) dst(%arg12 : memref<80x64xf32, #tpu.memory_space<vmem>>)
      %dma_start3A_218 = arith.constant 0 : i32
      %dma_start3A_219 = tpu.memref_slice %arg9[%add3A_210, %dma_start3A_218] : memref<250x80xi32, #tpu.memory_space<vmem>> -> memref<1x80xi32, #tpu.memory_space<vmem>>
      %dma_start3A_220 = tpu.memref_squeeze %dma_start3A_219 : memref<1x80xi32, #tpu.memory_space<vmem>> -> memref<80xi32, #tpu.memory_space<vmem>>
      %dma_start3A_221 = arith.constant 0 : i32
      %dma_start3A_222 = arith.constant 0 : i32
      %dma_start3A_223 = tpu.memref_slice %arg16[%dma_start3A_221, %dma_start3A_222] : memref<10008x64xf32, #tpu.memory_space<vmem_shared>> -> memref<10008x64xf32, #tpu.memory_space<vmem_shared>>
      tpu.enqueue_indirect_dma source(%arg12 : memref<80x64xf32, #tpu.memory_space<vmem>>) target(%dma_start3A_223 : memref<10008x64xf32, #tpu.memory_space<vmem_shared>>) offsets(%dma_start3A_220 : memref<80xi32, #tpu.memory_space<vmem>>) semaphore(%arg25 : memref<!tpu.dma_semaphore, #tpu.memory_space<semaphore_mem>>) {add = true}
      %sub3A_224 = arith.constant 3 : i32
      %sub3A_225 = arith.subi %add3A_210, %sub3A_224 : i32
      %ge3A_226 = arith.constant 0 : i32
      %ge3A_227 = arith.cmpi sge, %sub3A_225, %ge3A_226 : i32
      %convert_element_type3A_228 = arith.extui %ge3A_227 : i1 to i32
      %cond3A_229 = arith.constant 0 : i32
      %cond3A_230 = arith.cmpi ne, %convert_element_type3A_228, %cond3A_229 : i32
      scf.if %cond3A_230 {
        %dma_wait3A_325 = arith.constant 0 : i32
        %dma_wait3A_326 = arith.constant 0 : i32
        %dma_wait3A_327 = tpu.memref_slice %arg9[%dma_wait3A_325, %dma_wait3A_326] : memref<250x80xi32, #tpu.memory_space<vmem>> -> memref<1x80xi32, #tpu.memory_space<vmem>>
        %dma_wait3A_328 = tpu.memref_squeeze %dma_wait3A_327 : memref<1x80xi32, #tpu.memory_space<vmem>> -> memref<80xi32, #tpu.memory_space<vmem>>
        %dma_wait3A_329 = arith.constant 0 : i32
        %dma_wait3A_330 = arith.constant 0 : i32
        %dma_wait3A_331 = tpu.memref_slice %arg16[%dma_wait3A_329, %dma_wait3A_330] : memref<10008x64xf32, #tpu.memory_space<vmem_shared>> -> memref<10008x64xf32, #tpu.memory_space<vmem_shared>>
        tpu.wait_indirect_dma semaphore(%arg28 : memref<!tpu.dma_semaphore, #tpu.memory_space<semaphore_mem>>) src(%arg15 : memref<80x64xf32, #tpu.memory_space<vmem>>) dst(%dma_wait3A_331 : memref<10008x64xf32, #tpu.memory_space<vmem_shared>>)
      } else {
      }
      %add3A_231 = arith.constant 3 : i32
      %add3A_232 = arith.addi %add3A_210, %add3A_231 : i32
      %lt3A_233 = arith.constant 250 : i32
      %lt3A_234 = arith.cmpi slt, %add3A_232, %lt3A_233 : i32
      %convert_element_type3A_235 = arith.extui %lt3A_234 : i1 to i32
      %cond3A_236 = arith.constant 0 : i32
      %cond3A_237 = arith.cmpi ne, %convert_element_type3A_235, %cond3A_236 : i32
      scf.if %cond3A_237 {
        %add3A_325 = arith.constant 3 : i32
        %add3A_326 = arith.addi %add3A_210, %add3A_325 : i32
        %dma_start3A_327 = arith.constant 0 : i32
        %dma_start3A_328 = tpu.memref_slice %arg8[%add3A_326, %dma_start3A_327] : memref<250x80xi32, #tpu.memory_space<vmem>> -> memref<1x80xi32, #tpu.memory_space<vmem>>
        %dma_start3A_329 = tpu.memref_squeeze %dma_start3A_328 : memref<1x80xi32, #tpu.memory_space<vmem>> -> memref<80xi32, #tpu.memory_space<vmem>>
        %dma_start3A_330 = arith.constant 0 : i32
        %dma_start3A_331 = arith.constant 0 : i32
        %dma_start3A_332 = tpu.memref_slice %arg2[%dma_start3A_330, %dma_start3A_331] : memref<20000x64xf32, #tpu.memory_space<hbm>> -> memref<20000x64xf32, #tpu.memory_space<hbm>>
        tpu.enqueue_indirect_dma source(%dma_start3A_332 : memref<20000x64xf32, #tpu.memory_space<hbm>>) target(%arg15 : memref<80x64xf32, #tpu.memory_space<vmem>>) offsets(%dma_start3A_329 : memref<80xi32, #tpu.memory_space<vmem>>) semaphore(%arg22 : memref<!tpu.dma_semaphore, #tpu.memory_space<semaphore_mem>>)
      } else {
      }
      %add3A_238 = arith.constant 3 : i32
      %add3A_239 = arith.addi %mul3A_154, %add3A_238 : i32
      %dma_wait3A_240 = arith.constant 0 : i32
      %dma_wait3A_241 = arith.constant 0 : i32
      %dma_wait3A_242 = tpu.memref_slice %arg8[%dma_wait3A_240, %dma_wait3A_241] : memref<250x80xi32, #tpu.memory_space<vmem>> -> memref<1x80xi32, #tpu.memory_space<vmem>>
      %dma_wait3A_243 = tpu.memref_squeeze %dma_wait3A_242 : memref<1x80xi32, #tpu.memory_space<vmem>> -> memref<80xi32, #tpu.memory_space<vmem>>
      %dma_wait3A_244 = arith.constant 0 : i32
      %dma_wait3A_245 = arith.constant 0 : i32
      %dma_wait3A_246 = tpu.memref_slice %arg2[%dma_wait3A_244, %dma_wait3A_245] : memref<20000x64xf32, #tpu.memory_space<hbm>> -> memref<20000x64xf32, #tpu.memory_space<hbm>>
      tpu.wait_indirect_dma semaphore(%arg20 : memref<!tpu.dma_semaphore, #tpu.memory_space<semaphore_mem>>) src(%dma_wait3A_246 : memref<20000x64xf32, #tpu.memory_space<hbm>>) dst(%arg13 : memref<80x64xf32, #tpu.memory_space<vmem>>)
      %dma_start3A_247 = arith.constant 0 : i32
      %dma_start3A_248 = tpu.memref_slice %arg9[%add3A_239, %dma_start3A_247] : memref<250x80xi32, #tpu.memory_space<vmem>> -> memref<1x80xi32, #tpu.memory_space<vmem>>
      %dma_start3A_249 = tpu.memref_squeeze %dma_start3A_248 : memref<1x80xi32, #tpu.memory_space<vmem>> -> memref<80xi32, #tpu.memory_space<vmem>>
      %dma_start3A_250 = arith.constant 0 : i32
      %dma_start3A_251 = arith.constant 0 : i32
      %dma_start3A_252 = tpu.memref_slice %arg16[%dma_start3A_250, %dma_start3A_251] : memref<10008x64xf32, #tpu.memory_space<vmem_shared>> -> memref<10008x64xf32, #tpu.memory_space<vmem_shared>>
      tpu.enqueue_indirect_dma source(%arg13 : memref<80x64xf32, #tpu.memory_space<vmem>>) target(%dma_start3A_252 : memref<10008x64xf32, #tpu.memory_space<vmem_shared>>) offsets(%dma_start3A_249 : memref<80xi32, #tpu.memory_space<vmem>>) semaphore(%arg26 : memref<!tpu.dma_semaphore, #tpu.memory_space<semaphore_mem>>) {add = true}
      %sub3A_253 = arith.constant 3 : i32
      %sub3A_254 = arith.subi %add3A_239, %sub3A_253 : i32
      %ge3A_255 = arith.constant 0 : i32
      %ge3A_256 = arith.cmpi sge, %sub3A_254, %ge3A_255 : i32
      %convert_element_type3A_257 = arith.extui %ge3A_256 : i1 to i32
      %cond3A_258 = arith.constant 0 : i32
      %cond3A_259 = arith.cmpi ne, %convert_element_type3A_257, %cond3A_258 : i32
      scf.if %cond3A_259 {
        %dma_wait3A_325 = arith.constant 0 : i32
        %dma_wait3A_326 = arith.constant 0 : i32
        %dma_wait3A_327 = tpu.memref_slice %arg9[%dma_wait3A_325, %dma_wait3A_326] : memref<250x80xi32, #tpu.memory_space<vmem>> -> memref<1x80xi32, #tpu.memory_space<vmem>>
        %dma_wait3A_328 = tpu.memref_squeeze %dma_wait3A_327 : memref<1x80xi32, #tpu.memory_space<vmem>> -> memref<80xi32, #tpu.memory_space<vmem>>
        %dma_wait3A_329 = arith.constant 0 : i32
        %dma_wait3A_330 = arith.constant 0 : i32
        %dma_wait3A_331 = tpu.memref_slice %arg16[%dma_wait3A_329, %dma_wait3A_330] : memref<10008x64xf32, #tpu.memory_space<vmem_shared>> -> memref<10008x64xf32, #tpu.memory_space<vmem_shared>>
        tpu.wait_indirect_dma semaphore(%arg23 : memref<!tpu.dma_semaphore, #tpu.memory_space<semaphore_mem>>) src(%arg10 : memref<80x64xf32, #tpu.memory_space<vmem>>) dst(%dma_wait3A_331 : memref<10008x64xf32, #tpu.memory_space<vmem_shared>>)
      } else {
      }
      %add3A_260 = arith.constant 3 : i32
      %add3A_261 = arith.addi %add3A_239, %add3A_260 : i32
      %lt3A_262 = arith.constant 250 : i32
      %lt3A_263 = arith.cmpi slt, %add3A_261, %lt3A_262 : i32
      %convert_element_type3A_264 = arith.extui %lt3A_263 : i1 to i32
      %cond3A_265 = arith.constant 0 : i32
      %cond3A_266 = arith.cmpi ne, %convert_element_type3A_264, %cond3A_265 : i32
      scf.if %cond3A_266 {
        %add3A_325 = arith.constant 3 : i32
        %add3A_326 = arith.addi %add3A_239, %add3A_325 : i32
        %dma_start3A_327 = arith.constant 0 : i32
        %dma_start3A_328 = tpu.memref_slice %arg8[%add3A_326, %dma_start3A_327] : memref<250x80xi32, #tpu.memory_space<vmem>> -> memref<1x80xi32, #tpu.memory_space<vmem>>
        %dma_start3A_329 = tpu.memref_squeeze %dma_start3A_328 : memref<1x80xi32, #tpu.memory_space<vmem>> -> memref<80xi32, #tpu.memory_space<vmem>>
        %dma_start3A_330 = arith.constant 0 : i32
        %dma_start3A_331 = arith.constant 0 : i32
        %dma_start3A_332 = tpu.memref_slice %arg2[%dma_start3A_330, %dma_start3A_331] : memref<20000x64xf32, #tpu.memory_space<hbm>> -> memref<20000x64xf32, #tpu.memory_space<hbm>>
        tpu.enqueue_indirect_dma source(%dma_start3A_332 : memref<20000x64xf32, #tpu.memory_space<hbm>>) target(%arg10 : memref<80x64xf32, #tpu.memory_space<vmem>>) offsets(%dma_start3A_329 : memref<80xi32, #tpu.memory_space<vmem>>) semaphore(%arg17 : memref<!tpu.dma_semaphore, #tpu.memory_space<semaphore_mem>>)
      } else {
      }
      %add3A_267 = arith.constant 4 : i32
      %add3A_268 = arith.addi %mul3A_154, %add3A_267 : i32
      %dma_wait3A_269 = arith.constant 0 : i32
      %dma_wait3A_270 = arith.constant 0 : i32
      %dma_wait3A_271 = tpu.memref_slice %arg8[%dma_wait3A_269, %dma_wait3A_270] : memref<250x80xi32, #tpu.memory_space<vmem>> -> memref<1x80xi32, #tpu.memory_space<vmem>>
      %dma_wait3A_272 = tpu.memref_squeeze %dma_wait3A_271 : memref<1x80xi32, #tpu.memory_space<vmem>> -> memref<80xi32, #tpu.memory_space<vmem>>
      %dma_wait3A_273 = arith.constant 0 : i32
      %dma_wait3A_274 = arith.constant 0 : i32
      %dma_wait3A_275 = tpu.memref_slice %arg2[%dma_wait3A_273, %dma_wait3A_274] : memref<20000x64xf32, #tpu.memory_space<hbm>> -> memref<20000x64xf32, #tpu.memory_space<hbm>>
      tpu.wait_indirect_dma semaphore(%arg21 : memref<!tpu.dma_semaphore, #tpu.memory_space<semaphore_mem>>) src(%dma_wait3A_275 : memref<20000x64xf32, #tpu.memory_space<hbm>>) dst(%arg14 : memref<80x64xf32, #tpu.memory_space<vmem>>)
      %dma_start3A_276 = arith.constant 0 : i32
      %dma_start3A_277 = tpu.memref_slice %arg9[%add3A_268, %dma_start3A_276] : memref<250x80xi32, #tpu.memory_space<vmem>> -> memref<1x80xi32, #tpu.memory_space<vmem>>
      %dma_start3A_278 = tpu.memref_squeeze %dma_start3A_277 : memref<1x80xi32, #tpu.memory_space<vmem>> -> memref<80xi32, #tpu.memory_space<vmem>>
      %dma_start3A_279 = arith.constant 0 : i32
      %dma_start3A_280 = arith.constant 0 : i32
      %dma_start3A_281 = tpu.memref_slice %arg16[%dma_start3A_279, %dma_start3A_280] : memref<10008x64xf32, #tpu.memory_space<vmem_shared>> -> memref<10008x64xf32, #tpu.memory_space<vmem_shared>>
      tpu.enqueue_indirect_dma source(%arg14 : memref<80x64xf32, #tpu.memory_space<vmem>>) target(%dma_start3A_281 : memref<10008x64xf32, #tpu.memory_space<vmem_shared>>) offsets(%dma_start3A_278 : memref<80xi32, #tpu.memory_space<vmem>>) semaphore(%arg27 : memref<!tpu.dma_semaphore, #tpu.memory_space<semaphore_mem>>) {add = true}
      %sub3A_282 = arith.constant 3 : i32
      %sub3A_283 = arith.subi %add3A_268, %sub3A_282 : i32
      %ge3A_284 = arith.constant 0 : i32
      %ge3A_285 = arith.cmpi sge, %sub3A_283, %ge3A_284 : i32
      %convert_element_type3A_286 = arith.extui %ge3A_285 : i1 to i32
      %cond3A_287 = arith.constant 0 : i32
      %cond3A_288 = arith.cmpi ne, %convert_element_type3A_286, %cond3A_287 : i32
      scf.if %cond3A_288 {
        %dma_wait3A_325 = arith.constant 0 : i32
        %dma_wait3A_326 = arith.constant 0 : i32
        %dma_wait3A_327 = tpu.memref_slice %arg9[%dma_wait3A_325, %dma_wait3A_326] : memref<250x80xi32, #tpu.memory_space<vmem>> -> memref<1x80xi32, #tpu.memory_space<vmem>>
        %dma_wait3A_328 = tpu.memref_squeeze %dma_wait3A_327 : memref<1x80xi32, #tpu.memory_space<vmem>> -> memref<80xi32, #tpu.memory_space<vmem>>
        %dma_wait3A_329 = arith.constant 0 : i32
        %dma_wait3A_330 = arith.constant 0 : i32
        %dma_wait3A_331 = tpu.memref_slice %arg16[%dma_wait3A_329, %dma_wait3A_330] : memref<10008x64xf32, #tpu.memory_space<vmem_shared>> -> memref<10008x64xf32, #tpu.memory_space<vmem_shared>>
        tpu.wait_indirect_dma semaphore(%arg24 : memref<!tpu.dma_semaphore, #tpu.memory_space<semaphore_mem>>) src(%arg11 : memref<80x64xf32, #tpu.memory_space<vmem>>) dst(%dma_wait3A_331 : memref<10008x64xf32, #tpu.memory_space<vmem_shared>>)
      } else {
      }
      %add3A_289 = arith.constant 3 : i32
      %add3A_290 = arith.addi %add3A_268, %add3A_289 : i32
      %lt3A_291 = arith.constant 250 : i32
      %lt3A_292 = arith.cmpi slt, %add3A_290, %lt3A_291 : i32
      %convert_element_type3A_293 = arith.extui %lt3A_292 : i1 to i32
      %cond3A_294 = arith.constant 0 : i32
      %cond3A_295 = arith.cmpi ne, %convert_element_type3A_293, %cond3A_294 : i32
      scf.if %cond3A_295 {
        %add3A_325 = arith.constant 3 : i32
        %add3A_326 = arith.addi %add3A_268, %add3A_325 : i32
        %dma_start3A_327 = arith.constant 0 : i32
        %dma_start3A_328 = tpu.memref_slice %arg8[%add3A_326, %dma_start3A_327] : memref<250x80xi32, #tpu.memory_space<vmem>> -> memref<1x80xi32, #tpu.memory_space<vmem>>
        %dma_start3A_329 = tpu.memref_squeeze %dma_start3A_328 : memref<1x80xi32, #tpu.memory_space<vmem>> -> memref<80xi32, #tpu.memory_space<vmem>>
        %dma_start3A_330 = arith.constant 0 : i32
        %dma_start3A_331 = arith.constant 0 : i32
        %dma_start3A_332 = tpu.memref_slice %arg2[%dma_start3A_330, %dma_start3A_331] : memref<20000x64xf32, #tpu.memory_space<hbm>> -> memref<20000x64xf32, #tpu.memory_space<hbm>>
        tpu.enqueue_indirect_dma source(%dma_start3A_332 : memref<20000x64xf32, #tpu.memory_space<hbm>>) target(%arg11 : memref<80x64xf32, #tpu.memory_space<vmem>>) offsets(%dma_start3A_329 : memref<80xi32, #tpu.memory_space<vmem>>) semaphore(%arg18 : memref<!tpu.dma_semaphore, #tpu.memory_space<semaphore_mem>>)
      } else {
      }
      %add3A_296 = arith.constant 5 : i32
      %add3A_297 = arith.addi %mul3A_154, %add3A_296 : i32
      %dma_wait3A_298 = arith.constant 0 : i32
      %dma_wait3A_299 = arith.constant 0 : i32
      %dma_wait3A_300 = tpu.memref_slice %arg8[%dma_wait3A_298, %dma_wait3A_299] : memref<250x80xi32, #tpu.memory_space<vmem>> -> memref<1x80xi32, #tpu.memory_space<vmem>>
      %dma_wait3A_301 = tpu.memref_squeeze %dma_wait3A_300 : memref<1x80xi32, #tpu.memory_space<vmem>> -> memref<80xi32, #tpu.memory_space<vmem>>
      %dma_wait3A_302 = arith.constant 0 : i32
      %dma_wait3A_303 = arith.constant 0 : i32
      %dma_wait3A_304 = tpu.memref_slice %arg2[%dma_wait3A_302, %dma_wait3A_303] : memref<20000x64xf32, #tpu.memory_space<hbm>> -> memref<20000x64xf32, #tpu.memory_space<hbm>>
      tpu.wait_indirect_dma semaphore(%arg22 : memref<!tpu.dma_semaphore, #tpu.memory_space<semaphore_mem>>) src(%dma_wait3A_304 : memref<20000x64xf32, #tpu.memory_space<hbm>>) dst(%arg15 : memref<80x64xf32, #tpu.memory_space<vmem>>)
      %dma_start3A_305 = arith.constant 0 : i32
      %dma_start3A_306 = tpu.memref_slice %arg9[%add3A_297, %dma_start3A_305] : memref<250x80xi32, #tpu.memory_space<vmem>> -> memref<1x80xi32, #tpu.memory_space<vmem>>
      %dma_start3A_307 = tpu.memref_squeeze %dma_start3A_306 : memref<1x80xi32, #tpu.memory_space<vmem>> -> memref<80xi32, #tpu.memory_space<vmem>>
      %dma_start3A_308 = arith.constant 0 : i32
      %dma_start3A_309 = arith.constant 0 : i32
      %dma_start3A_310 = tpu.memref_slice %arg16[%dma_start3A_308, %dma_start3A_309] : memref<10008x64xf32, #tpu.memory_space<vmem_shared>> -> memref<10008x64xf32, #tpu.memory_space<vmem_shared>>
      tpu.enqueue_indirect_dma source(%arg15 : memref<80x64xf32, #tpu.memory_space<vmem>>) target(%dma_start3A_310 : memref<10008x64xf32, #tpu.memory_space<vmem_shared>>) offsets(%dma_start3A_307 : memref<80xi32, #tpu.memory_space<vmem>>) semaphore(%arg28 : memref<!tpu.dma_semaphore, #tpu.memory_space<semaphore_mem>>) {add = true}
      %sub3A_311 = arith.constant 3 : i32
      %sub3A_312 = arith.subi %add3A_297, %sub3A_311 : i32
      %ge3A_313 = arith.constant 0 : i32
      %ge3A_314 = arith.cmpi sge, %sub3A_312, %ge3A_313 : i32
      %convert_element_type3A_315 = arith.extui %ge3A_314 : i1 to i32
      %cond3A_316 = arith.constant 0 : i32
      %cond3A_317 = arith.cmpi ne, %convert_element_type3A_315, %cond3A_316 : i32
      scf.if %cond3A_317 {
        %dma_wait3A_325 = arith.constant 0 : i32
        %dma_wait3A_326 = arith.constant 0 : i32
        %dma_wait3A_327 = tpu.memref_slice %arg9[%dma_wait3A_325, %dma_wait3A_326] : memref<250x80xi32, #tpu.memory_space<vmem>> -> memref<1x80xi32, #tpu.memory_space<vmem>>
        %dma_wait3A_328 = tpu.memref_squeeze %dma_wait3A_327 : memref<1x80xi32, #tpu.memory_space<vmem>> -> memref<80xi32, #tpu.memory_space<vmem>>
        %dma_wait3A_329 = arith.constant 0 : i32
        %dma_wait3A_330 = arith.constant 0 : i32
        %dma_wait3A_331 = tpu.memref_slice %arg16[%dma_wait3A_329, %dma_wait3A_330] : memref<10008x64xf32, #tpu.memory_space<vmem_shared>> -> memref<10008x64xf32, #tpu.memory_space<vmem_shared>>
        tpu.wait_indirect_dma semaphore(%arg25 : memref<!tpu.dma_semaphore, #tpu.memory_space<semaphore_mem>>) src(%arg12 : memref<80x64xf32, #tpu.memory_space<vmem>>) dst(%dma_wait3A_331 : memref<10008x64xf32, #tpu.memory_space<vmem_shared>>)
      } else {
      }
      %add3A_318 = arith.constant 3 : i32
      %add3A_319 = arith.addi %add3A_297, %add3A_318 : i32
      %lt3A_320 = arith.constant 250 : i32
      %lt3A_321 = arith.cmpi slt, %add3A_319, %lt3A_320 : i32
      %convert_element_type3A_322 = arith.extui %lt3A_321 : i1 to i32
      %cond3A_323 = arith.constant 0 : i32
      %cond3A_324 = arith.cmpi ne, %convert_element_type3A_322, %cond3A_323 : i32
      scf.if %cond3A_324 {
        %add3A_325 = arith.constant 3 : i32
        %add3A_326 = arith.addi %add3A_297, %add3A_325 : i32
        %dma_start3A_327 = arith.constant 0 : i32
        %dma_start3A_328 = tpu.memref_slice %arg8[%add3A_326, %dma_start3A_327] : memref<250x80xi32, #tpu.memory_space<vmem>> -> memref<1x80xi32, #tpu.memory_space<vmem>>
        %dma_start3A_329 = tpu.memref_squeeze %dma_start3A_328 : memref<1x80xi32, #tpu.memory_space<vmem>> -> memref<80xi32, #tpu.memory_space<vmem>>
        %dma_start3A_330 = arith.constant 0 : i32
        %dma_start3A_331 = arith.constant 0 : i32
        %dma_start3A_332 = tpu.memref_slice %arg2[%dma_start3A_330, %dma_start3A_331] : memref<20000x64xf32, #tpu.memory_space<hbm>> -> memref<20000x64xf32, #tpu.memory_space<hbm>>
        tpu.enqueue_indirect_dma source(%dma_start3A_332 : memref<20000x64xf32, #tpu.memory_space<hbm>>) target(%arg12 : memref<80x64xf32, #tpu.memory_space<vmem>>) offsets(%dma_start3A_329 : memref<80xi32, #tpu.memory_space<vmem>>) semaphore(%arg19 : memref<!tpu.dma_semaphore, #tpu.memory_space<semaphore_mem>>)
      } else {
      }
    }
    %scan3A_37 = arith.constant 41 : i32
    %dma_wait3A = arith.constant 0 : i32
    %dma_wait3A_38 = arith.constant 0 : i32
    %dma_wait3A_39 = tpu.memref_slice %arg8[%dma_wait3A, %dma_wait3A_38] : memref<250x80xi32, #tpu.memory_space<vmem>> -> memref<1x80xi32, #tpu.memory_space<vmem>>
    %dma_wait3A_40 = tpu.memref_squeeze %dma_wait3A_39 : memref<1x80xi32, #tpu.memory_space<vmem>> -> memref<80xi32, #tpu.memory_space<vmem>>
    %dma_wait3A_41 = arith.constant 0 : i32
    %dma_wait3A_42 = arith.constant 0 : i32
    %dma_wait3A_43 = tpu.memref_slice %arg2[%dma_wait3A_41, %dma_wait3A_42] : memref<20000x64xf32, #tpu.memory_space<hbm>> -> memref<20000x64xf32, #tpu.memory_space<hbm>>
    tpu.wait_indirect_dma semaphore(%arg17 : memref<!tpu.dma_semaphore, #tpu.memory_space<semaphore_mem>>) src(%dma_wait3A_43 : memref<20000x64xf32, #tpu.memory_space<hbm>>) dst(%arg10 : memref<80x64xf32, #tpu.memory_space<vmem>>)
    %dma_start3A_44 = arith.constant 246 : i32
    %dma_start3A_45 = arith.constant 0 : i32
    %dma_start3A_46 = tpu.memref_slice %arg9[%dma_start3A_44, %dma_start3A_45] : memref<250x80xi32, #tpu.memory_space<vmem>> -> memref<1x80xi32, #tpu.memory_space<vmem>>
    %dma_start3A_47 = tpu.memref_squeeze %dma_start3A_46 : memref<1x80xi32, #tpu.memory_space<vmem>> -> memref<80xi32, #tpu.memory_space<vmem>>
    %dma_start3A_48 = arith.constant 0 : i32
    %dma_start3A_49 = arith.constant 0 : i32
    %dma_start3A_50 = tpu.memref_slice %arg16[%dma_start3A_48, %dma_start3A_49] : memref<10008x64xf32, #tpu.memory_space<vmem_shared>> -> memref<10008x64xf32, #tpu.memory_space<vmem_shared>>
    tpu.enqueue_indirect_dma source(%arg10 : memref<80x64xf32, #tpu.memory_space<vmem>>) target(%dma_start3A_50 : memref<10008x64xf32, #tpu.memory_space<vmem_shared>>) offsets(%dma_start3A_47 : memref<80xi32, #tpu.memory_space<vmem>>) semaphore(%arg23 : memref<!tpu.dma_semaphore, #tpu.memory_space<semaphore_mem>>) {add = true}
    %dma_wait3A_51 = arith.constant 0 : i32
    %dma_wait3A_52 = arith.constant 0 : i32
    %dma_wait3A_53 = tpu.memref_slice %arg9[%dma_wait3A_51, %dma_wait3A_52] : memref<250x80xi32, #tpu.memory_space<vmem>> -> memref<1x80xi32, #tpu.memory_space<vmem>>
    %dma_wait3A_54 = tpu.memref_squeeze %dma_wait3A_53 : memref<1x80xi32, #tpu.memory_space<vmem>> -> memref<80xi32, #tpu.memory_space<vmem>>
    %dma_wait3A_55 = arith.constant 0 : i32
    %dma_wait3A_56 = arith.constant 0 : i32
    %dma_wait3A_57 = tpu.memref_slice %arg16[%dma_wait3A_55, %dma_wait3A_56] : memref<10008x64xf32, #tpu.memory_space<vmem_shared>> -> memref<10008x64xf32, #tpu.memory_space<vmem_shared>>
    tpu.wait_indirect_dma semaphore(%arg26 : memref<!tpu.dma_semaphore, #tpu.memory_space<semaphore_mem>>) src(%arg13 : memref<80x64xf32, #tpu.memory_space<vmem>>) dst(%dma_wait3A_57 : memref<10008x64xf32, #tpu.memory_space<vmem_shared>>)
    %dma_start3A_58 = arith.constant 249 : i32
    %dma_start3A_59 = arith.constant 0 : i32
    %dma_start3A_60 = tpu.memref_slice %arg8[%dma_start3A_58, %dma_start3A_59] : memref<250x80xi32, #tpu.memory_space<vmem>> -> memref<1x80xi32, #tpu.memory_space<vmem>>
    %dma_start3A_61 = tpu.memref_squeeze %dma_start3A_60 : memref<1x80xi32, #tpu.memory_space<vmem>> -> memref<80xi32, #tpu.memory_space<vmem>>
    %dma_start3A_62 = arith.constant 0 : i32
    %dma_start3A_63 = arith.constant 0 : i32
    %dma_start3A_64 = tpu.memref_slice %arg2[%dma_start3A_62, %dma_start3A_63] : memref<20000x64xf32, #tpu.memory_space<hbm>> -> memref<20000x64xf32, #tpu.memory_space<hbm>>
    tpu.enqueue_indirect_dma source(%dma_start3A_64 : memref<20000x64xf32, #tpu.memory_space<hbm>>) target(%arg13 : memref<80x64xf32, #tpu.memory_space<vmem>>) offsets(%dma_start3A_61 : memref<80xi32, #tpu.memory_space<vmem>>) semaphore(%arg20 : memref<!tpu.dma_semaphore, #tpu.memory_space<semaphore_mem>>)
    %dma_wait3A_65 = arith.constant 0 : i32
    %dma_wait3A_66 = arith.constant 0 : i32
    %dma_wait3A_67 = tpu.memref_slice %arg8[%dma_wait3A_65, %dma_wait3A_66] : memref<250x80xi32, #tpu.memory_space<vmem>> -> memref<1x80xi32, #tpu.memory_space<vmem>>
    %dma_wait3A_68 = tpu.memref_squeeze %dma_wait3A_67 : memref<1x80xi32, #tpu.memory_space<vmem>> -> memref<80xi32, #tpu.memory_space<vmem>>
    %dma_wait3A_69 = arith.constant 0 : i32
    %dma_wait3A_70 = arith.constant 0 : i32
    %dma_wait3A_71 = tpu.memref_slice %arg2[%dma_wait3A_69, %dma_wait3A_70] : memref<20000x64xf32, #tpu.memory_space<hbm>> -> memref<20000x64xf32, #tpu.memory_space<hbm>>
    tpu.wait_indirect_dma semaphore(%arg18 : memref<!tpu.dma_semaphore, #tpu.memory_space<semaphore_mem>>) src(%dma_wait3A_71 : memref<20000x64xf32, #tpu.memory_space<hbm>>) dst(%arg11 : memref<80x64xf32, #tpu.memory_space<vmem>>)
    %dma_start3A_72 = arith.constant 247 : i32
    %dma_start3A_73 = arith.constant 0 : i32
    %dma_start3A_74 = tpu.memref_slice %arg9[%dma_start3A_72, %dma_start3A_73] : memref<250x80xi32, #tpu.memory_space<vmem>> -> memref<1x80xi32, #tpu.memory_space<vmem>>
    %dma_start3A_75 = tpu.memref_squeeze %dma_start3A_74 : memref<1x80xi32, #tpu.memory_space<vmem>> -> memref<80xi32, #tpu.memory_space<vmem>>
    %dma_start3A_76 = arith.constant 0 : i32
    %dma_start3A_77 = arith.constant 0 : i32
    %dma_start3A_78 = tpu.memref_slice %arg16[%dma_start3A_76, %dma_start3A_77] : memref<10008x64xf32, #tpu.memory_space<vmem_shared>> -> memref<10008x64xf32, #tpu.memory_space<vmem_shared>>
    tpu.enqueue_indirect_dma source(%arg11 : memref<80x64xf32, #tpu.memory_space<vmem>>) target(%dma_start3A_78 : memref<10008x64xf32, #tpu.memory_space<vmem_shared>>) offsets(%dma_start3A_75 : memref<80xi32, #tpu.memory_space<vmem>>) semaphore(%arg24 : memref<!tpu.dma_semaphore, #tpu.memory_space<semaphore_mem>>) {add = true}
    %dma_wait3A_79 = arith.constant 0 : i32
    %dma_wait3A_80 = arith.constant 0 : i32
    %dma_wait3A_81 = tpu.memref_slice %arg9[%dma_wait3A_79, %dma_wait3A_80] : memref<250x80xi32, #tpu.memory_space<vmem>> -> memref<1x80xi32, #tpu.memory_space<vmem>>
    %dma_wait3A_82 = tpu.memref_squeeze %dma_wait3A_81 : memref<1x80xi32, #tpu.memory_space<vmem>> -> memref<80xi32, #tpu.memory_space<vmem>>
    %dma_wait3A_83 = arith.constant 0 : i32
    %dma_wait3A_84 = arith.constant 0 : i32
    %dma_wait3A_85 = tpu.memref_slice %arg16[%dma_wait3A_83, %dma_wait3A_84] : memref<10008x64xf32, #tpu.memory_space<vmem_shared>> -> memref<10008x64xf32, #tpu.memory_space<vmem_shared>>
    tpu.wait_indirect_dma semaphore(%arg27 : memref<!tpu.dma_semaphore, #tpu.memory_space<semaphore_mem>>) src(%arg14 : memref<80x64xf32, #tpu.memory_space<vmem>>) dst(%dma_wait3A_85 : memref<10008x64xf32, #tpu.memory_space<vmem_shared>>)
    %dma_wait3A_86 = arith.constant 0 : i32
    %dma_wait3A_87 = arith.constant 0 : i32
    %dma_wait3A_88 = tpu.memref_slice %arg8[%dma_wait3A_86, %dma_wait3A_87] : memref<250x80xi32, #tpu.memory_space<vmem>> -> memref<1x80xi32, #tpu.memory_space<vmem>>
    %dma_wait3A_89 = tpu.memref_squeeze %dma_wait3A_88 : memref<1x80xi32, #tpu.memory_space<vmem>> -> memref<80xi32, #tpu.memory_space<vmem>>
    %dma_wait3A_90 = arith.constant 0 : i32
    %dma_wait3A_91 = arith.constant 0 : i32
    %dma_wait3A_92 = tpu.memref_slice %arg2[%dma_wait3A_90, %dma_wait3A_91] : memref<20000x64xf32, #tpu.memory_space<hbm>> -> memref<20000x64xf32, #tpu.memory_space<hbm>>
    tpu.wait_indirect_dma semaphore(%arg19 : memref<!tpu.dma_semaphore, #tpu.memory_space<semaphore_mem>>) src(%dma_wait3A_92 : memref<20000x64xf32, #tpu.memory_space<hbm>>) dst(%arg12 : memref<80x64xf32, #tpu.memory_space<vmem>>)
    %dma_start3A_93 = arith.constant 248 : i32
    %dma_start3A_94 = arith.constant 0 : i32
    %dma_start3A_95 = tpu.memref_slice %arg9[%dma_start3A_93, %dma_start3A_94] : memref<250x80xi32, #tpu.memory_space<vmem>> -> memref<1x80xi32, #tpu.memory_space<vmem>>
    %dma_start3A_96 = tpu.memref_squeeze %dma_start3A_95 : memref<1x80xi32, #tpu.memory_space<vmem>> -> memref<80xi32, #tpu.memory_space<vmem>>
    %dma_start3A_97 = arith.constant 0 : i32
    %dma_start3A_98 = arith.constant 0 : i32
    %dma_start3A_99 = tpu.memref_slice %arg16[%dma_start3A_97, %dma_start3A_98] : memref<10008x64xf32, #tpu.memory_space<vmem_shared>> -> memref<10008x64xf32, #tpu.memory_space<vmem_shared>>
    tpu.enqueue_indirect_dma source(%arg12 : memref<80x64xf32, #tpu.memory_space<vmem>>) target(%dma_start3A_99 : memref<10008x64xf32, #tpu.memory_space<vmem_shared>>) offsets(%dma_start3A_96 : memref<80xi32, #tpu.memory_space<vmem>>) semaphore(%arg25 : memref<!tpu.dma_semaphore, #tpu.memory_space<semaphore_mem>>) {add = true}
    %dma_wait3A_100 = arith.constant 0 : i32
    %dma_wait3A_101 = arith.constant 0 : i32
    %dma_wait3A_102 = tpu.memref_slice %arg9[%dma_wait3A_100, %dma_wait3A_101] : memref<250x80xi32, #tpu.memory_space<vmem>> -> memref<1x80xi32, #tpu.memory_space<vmem>>
    %dma_wait3A_103 = tpu.memref_squeeze %dma_wait3A_102 : memref<1x80xi32, #tpu.memory_space<vmem>> -> memref<80xi32, #tpu.memory_space<vmem>>
    %dma_wait3A_104 = arith.constant 0 : i32
    %dma_wait3A_105 = arith.constant 0 : i32
    %dma_wait3A_106 = tpu.memref_slice %arg16[%dma_wait3A_104, %dma_wait3A_105] : memref<10008x64xf32, #tpu.memory_space<vmem_shared>> -> memref<10008x64xf32, #tpu.memory_space<vmem_shared>>
    tpu.wait_indirect_dma semaphore(%arg28 : memref<!tpu.dma_semaphore, #tpu.memory_space<semaphore_mem>>) src(%arg15 : memref<80x64xf32, #tpu.memory_space<vmem>>) dst(%dma_wait3A_106 : memref<10008x64xf32, #tpu.memory_space<vmem_shared>>)
    %dma_wait3A_107 = arith.constant 0 : i32
    %dma_wait3A_108 = arith.constant 0 : i32
    %dma_wait3A_109 = tpu.memref_slice %arg8[%dma_wait3A_107, %dma_wait3A_108] : memref<250x80xi32, #tpu.memory_space<vmem>> -> memref<1x80xi32, #tpu.memory_space<vmem>>
    %dma_wait3A_110 = tpu.memref_squeeze %dma_wait3A_109 : memref<1x80xi32, #tpu.memory_space<vmem>> -> memref<80xi32, #tpu.memory_space<vmem>>
    %dma_wait3A_111 = arith.constant 0 : i32
    %dma_wait3A_112 = arith.constant 0 : i32
    %dma_wait3A_113 = tpu.memref_slice %arg2[%dma_wait3A_111, %dma_wait3A_112] : memref<20000x64xf32, #tpu.memory_space<hbm>> -> memref<20000x64xf32, #tpu.memory_space<hbm>>
    tpu.wait_indirect_dma semaphore(%arg20 : memref<!tpu.dma_semaphore, #tpu.memory_space<semaphore_mem>>) src(%dma_wait3A_113 : memref<20000x64xf32, #tpu.memory_space<hbm>>) dst(%arg13 : memref<80x64xf32, #tpu.memory_space<vmem>>)
    %dma_start3A_114 = arith.constant 249 : i32
    %dma_start3A_115 = arith.constant 0 : i32
    %dma_start3A_116 = tpu.memref_slice %arg9[%dma_start3A_114, %dma_start3A_115] : memref<250x80xi32, #tpu.memory_space<vmem>> -> memref<1x80xi32, #tpu.memory_space<vmem>>
    %dma_start3A_117 = tpu.memref_squeeze %dma_start3A_116 : memref<1x80xi32, #tpu.memory_space<vmem>> -> memref<80xi32, #tpu.memory_space<vmem>>
    %dma_start3A_118 = arith.constant 0 : i32
    %dma_start3A_119 = arith.constant 0 : i32
    %dma_start3A_120 = tpu.memref_slice %arg16[%dma_start3A_118, %dma_start3A_119] : memref<10008x64xf32, #tpu.memory_space<vmem_shared>> -> memref<10008x64xf32, #tpu.memory_space<vmem_shared>>
    tpu.enqueue_indirect_dma source(%arg13 : memref<80x64xf32, #tpu.memory_space<vmem>>) target(%dma_start3A_120 : memref<10008x64xf32, #tpu.memory_space<vmem_shared>>) offsets(%dma_start3A_117 : memref<80xi32, #tpu.memory_space<vmem>>) semaphore(%arg26 : memref<!tpu.dma_semaphore, #tpu.memory_space<semaphore_mem>>) {add = true}
    %dma_wait3A_121 = arith.constant 0 : i32
    %dma_wait3A_122 = arith.constant 0 : i32
    %dma_wait3A_123 = tpu.memref_slice %arg9[%dma_wait3A_121, %dma_wait3A_122] : memref<250x80xi32, #tpu.memory_space<vmem>> -> memref<1x80xi32, #tpu.memory_space<vmem>>
    %dma_wait3A_124 = tpu.memref_squeeze %dma_wait3A_123 : memref<1x80xi32, #tpu.memory_space<vmem>> -> memref<80xi32, #tpu.memory_space<vmem>>
    %dma_wait3A_125 = arith.constant 0 : i32
    %dma_wait3A_126 = arith.constant 0 : i32
    %dma_wait3A_127 = tpu.memref_slice %arg16[%dma_wait3A_125, %dma_wait3A_126] : memref<10008x64xf32, #tpu.memory_space<vmem_shared>> -> memref<10008x64xf32, #tpu.memory_space<vmem_shared>>
    tpu.wait_indirect_dma semaphore(%arg23 : memref<!tpu.dma_semaphore, #tpu.memory_space<semaphore_mem>>) src(%arg10 : memref<80x64xf32, #tpu.memory_space<vmem>>) dst(%dma_wait3A_127 : memref<10008x64xf32, #tpu.memory_space<vmem_shared>>)
    %dma_wait3A_128 = arith.constant 0 : i32
    %dma_wait3A_129 = arith.constant 0 : i32
    %dma_wait3A_130 = tpu.memref_slice %arg9[%dma_wait3A_128, %dma_wait3A_129] : memref<250x80xi32, #tpu.memory_space<vmem>> -> memref<1x80xi32, #tpu.memory_space<vmem>>
    %dma_wait3A_131 = tpu.memref_squeeze %dma_wait3A_130 : memref<1x80xi32, #tpu.memory_space<vmem>> -> memref<80xi32, #tpu.memory_space<vmem>>
    %dma_wait3A_132 = arith.constant 0 : i32
    %dma_wait3A_133 = arith.constant 0 : i32
    %dma_wait3A_134 = tpu.memref_slice %arg16[%dma_wait3A_132, %dma_wait3A_133] : memref<10008x64xf32, #tpu.memory_space<vmem_shared>> -> memref<10008x64xf32, #tpu.memory_space<vmem_shared>>
    tpu.wait_indirect_dma semaphore(%arg24 : memref<!tpu.dma_semaphore, #tpu.memory_space<semaphore_mem>>) src(%arg11 : memref<80x64xf32, #tpu.memory_space<vmem>>) dst(%dma_wait3A_134 : memref<10008x64xf32, #tpu.memory_space<vmem_shared>>)
    %dma_wait3A_135 = arith.constant 0 : i32
    %dma_wait3A_136 = arith.constant 0 : i32
    %dma_wait3A_137 = tpu.memref_slice %arg9[%dma_wait3A_135, %dma_wait3A_136] : memref<250x80xi32, #tpu.memory_space<vmem>> -> memref<1x80xi32, #tpu.memory_space<vmem>>
    %dma_wait3A_138 = tpu.memref_squeeze %dma_wait3A_137 : memref<1x80xi32, #tpu.memory_space<vmem>> -> memref<80xi32, #tpu.memory_space<vmem>>
    %dma_wait3A_139 = arith.constant 0 : i32
    %dma_wait3A_140 = arith.constant 0 : i32
    %dma_wait3A_141 = tpu.memref_slice %arg16[%dma_wait3A_139, %dma_wait3A_140] : memref<10008x64xf32, #tpu.memory_space<vmem_shared>> -> memref<10008x64xf32, #tpu.memory_space<vmem_shared>>
    tpu.wait_indirect_dma semaphore(%arg25 : memref<!tpu.dma_semaphore, #tpu.memory_space<semaphore_mem>>) src(%arg12 : memref<80x64xf32, #tpu.memory_space<vmem>>) dst(%dma_wait3A_141 : memref<10008x64xf32, #tpu.memory_space<vmem_shared>>)
    %dma_wait3A_142 = arith.constant 0 : i32
    %dma_wait3A_143 = arith.constant 0 : i32
    %dma_wait3A_144 = tpu.memref_slice %arg9[%dma_wait3A_142, %dma_wait3A_143] : memref<250x80xi32, #tpu.memory_space<vmem>> -> memref<1x80xi32, #tpu.memory_space<vmem>>
    %dma_wait3A_145 = tpu.memref_squeeze %dma_wait3A_144 : memref<1x80xi32, #tpu.memory_space<vmem>> -> memref<80xi32, #tpu.memory_space<vmem>>
    %dma_wait3A_146 = arith.constant 0 : i32
    %dma_wait3A_147 = arith.constant 0 : i32
    %dma_wait3A_148 = tpu.memref_slice %arg16[%dma_wait3A_146, %dma_wait3A_147] : memref<10008x64xf32, #tpu.memory_space<vmem_shared>> -> memref<10008x64xf32, #tpu.memory_space<vmem_shared>>
    tpu.wait_indirect_dma semaphore(%arg26 : memref<!tpu.dma_semaphore, #tpu.memory_space<semaphore_mem>>) src(%arg13 : memref<80x64xf32, #tpu.memory_space<vmem>>) dst(%dma_wait3A_148 : memref<10008x64xf32, #tpu.memory_space<vmem_shared>>)
    %barrier3A_149 = arith.constant 0 : index
    tpu.barrier barrier_id(%barrier3A_149)
    %mul3A_150 = arith.constant 625 : i32
    %mul3A_151 = arith.muli %arg1, %mul3A_150 : i32
    "tpu.region"() ({
      %run_scoped3A = tpu.sem_alloc : memref<!tpu.dma_semaphore, #tpu.memory_space<semaphore_mem>>
      %dma_start3A_152 = arith.constant 0 : i32
      %dma_start3A_153 = arith.constant 0 : i32
      %dma_start3A_154 = tpu.memref_slice %arg7[%arg0, %arg1, %dma_start3A_152, %dma_start3A_153] : memref<2x16x625x64xf32, #tpu.memory_space<hbm>> -> memref<1x1x625x64xf32, #tpu.memory_space<hbm>>
      %dma_start3A_155 = tpu.memref_squeeze %dma_start3A_154 : memref<1x1x625x64xf32, #tpu.memory_space<hbm>> -> memref<625x64xf32, #tpu.memory_space<hbm>>
      %dma_start3A_156 = arith.constant 0 : i32
      %dma_start3A_157 = tpu.memref_slice %arg16[%mul3A_151, %dma_start3A_156] : memref<10008x64xf32, #tpu.memory_space<vmem_shared>> -> memref<625x64xf32, #tpu.memory_space<vmem_shared>>
      tpu.enqueue_dma source(%dma_start3A_157 : memref<625x64xf32, #tpu.memory_space<vmem_shared>>) target(%dma_start3A_155 : memref<625x64xf32, #tpu.memory_space<hbm>>) target_semaphore(%run_scoped3A : memref<!tpu.dma_semaphore, #tpu.memory_space<semaphore_mem>>)
      %dma_wait3A_158 = arith.constant 0 : i32
      %dma_wait3A_159 = arith.constant 0 : i32
      %dma_wait3A_160 = tpu.memref_slice %arg7[%arg0, %arg1, %dma_wait3A_158, %dma_wait3A_159] : memref<2x16x625x64xf32, #tpu.memory_space<hbm>> -> memref<1x1x625x64xf32, #tpu.memory_space<hbm>>
      %dma_wait3A_161 = tpu.memref_squeeze %dma_wait3A_160 : memref<1x1x625x64xf32, #tpu.memory_space<hbm>> -> memref<625x64xf32, #tpu.memory_space<hbm>>
      %dma_wait3A_162 = arith.constant 0 : i32
      %dma_wait3A_163 = tpu.memref_slice %arg16[%mul3A_151, %dma_wait3A_162] : memref<10008x64xf32, #tpu.memory_space<vmem_shared>> -> memref<625x64xf32, #tpu.memory_space<vmem_shared>>
      tpu.wait_dma2 semaphore(%run_scoped3A : memref<!tpu.dma_semaphore, #tpu.memory_space<semaphore_mem>>) src(%dma_wait3A_163 : memref<625x64xf32, #tpu.memory_space<vmem_shared>>) dst(%dma_wait3A_161 : memref<625x64xf32, #tpu.memory_space<hbm>>)
      tpu.yield
    }) : () -> ()
    return
  }
}

module attributes {stable_mosaic.version = 14 : i64} {
  func.func @_mm_kernel(%arg0: i32, %arg1: memref<512x2048xf32, #tpu.memory_space<vmem>>, %arg2: memref<2048x128xf32, #tpu.memory_space<vmem>>, %arg3: memref<512x128xf32, #tpu.memory_space<vmem>>) attributes {dimension_semantics = [#tpu.dimension_semantics<arbitrary>], iteration_bounds = array<i64: 8>, scalar_prefetch = 0 : i64, scratch_operands = 0 : i64, tpu.core_type = #tpu.core_type<tc>, window_params = [{transform_indices = @transform_0, window_bounds = array<i64: 512, 2048>}, {pipeline_mode = #tpu.pipeline_mode<synchronous>, transform_indices = @transform_1, window_bounds = array<i64: 2048, 128>}, {transform_indices = @transform_2, window_bounds = array<i64: 512, 128>}]} {
    %get3A = arith.constant 0 : index
    %get3A_0 = arith.constant 0 : index
    %get3A_1 = vector.load %arg1[%get3A, %get3A_0] : memref<512x2048xf32, #tpu.memory_space<vmem>>, vector<512x2048xf32>
    %get3A_2 = arith.constant 0 : index
    %get3A_3 = arith.constant 0 : index
    %get3A_4 = vector.load %arg2[%get3A_2, %get3A_3] : memref<2048x128xf32, #tpu.memory_space<vmem>>, vector<2048x128xf32>
    %dot_general3A = arith.constant dense<0.000000e+00> : vector<512x128xf32>
    %dot_general3A_5 = tpu.matmul %get3A_1, %get3A_4, %dot_general3A {dimension_numbers = #tpu.dot_dimension_numbers<[1], [0], [0], [1], [0, 0, 1, 1], [], []>, transpose_lhs_hint = false} : vector<512x2048xf32>, vector<2048x128xf32>, vector<512x128xf32> -> vector<512x128xf32>
    %swap3A = arith.constant 0 : index
    %swap3A_6 = arith.constant 0 : index
    %swap3A_7 = vector.load %arg3[%swap3A, %swap3A_6] : memref<512x128xf32, #tpu.memory_space<vmem>>, vector<512x128xf32>
    tpu.vector_store %arg3[%swap3A, %swap3A_6], %dot_general3A_5 {strides = array<i32>} : memref<512x128xf32, #tpu.memory_space<vmem>>, vector<512x128xf32>,
    return
  }
  func.func @transform_0(%arg0: i32) -> (i32, i32) {
    %c0_i32 = arith.constant 0 : i32
    %c0_i32_0 = arith.constant 0 : i32
    return %arg0, %c0_i32 : i32, i32
  }
  func.func @transform_1(%arg0: i32) -> (i32, i32) {
    %c0_i32 = arith.constant 0 : i32
    %c0_i32_0 = arith.constant 0 : i32
    %c0_i32_1 = arith.constant 0 : i32
    return %c0_i32, %c0_i32_0 : i32, i32
  }
  func.func @transform_2(%arg0: i32) -> (i32, i32) {
    %c0_i32 = arith.constant 0 : i32
    %c0_i32_0 = arith.constant 0 : i32
    return %arg0, %c0_i32 : i32, i32
  }
}

module attributes {stable_mosaic.version = 14 : i64} {
  func.func @_wc_kernel(%arg0: i32, %arg1: memref<512x4096xf32, #tpu.memory_space<vmem>>, %arg2: memref<4096x128xf32, #tpu.memory_space<vmem>>, %arg3: memref<1x4096xf32, #tpu.memory_space<vmem>>, %arg4: memref<1x2048xf32, #tpu.memory_space<vmem>>, %arg5: memref<2048x128xf32, #tpu.memory_space<vmem>>, %arg6: memref<1x128xf32, #tpu.memory_space<vmem>>, %arg7: memref<512x128xf32, #tpu.memory_space<vmem>>, %arg8: memref<1x128xf32, #tpu.memory_space<vmem>>) attributes {dimension_semantics = [#tpu.dimension_semantics<arbitrary>], iteration_bounds = array<i64: 4>, scalar_prefetch = 0 : i64, scratch_operands = 0 : i64, tpu.core_type = #tpu.core_type<tc>, window_params = [{transform_indices = @transform_0, window_bounds = array<i64: 512, 4096>}, {pipeline_mode = #tpu.pipeline_mode<synchronous>, transform_indices = @transform_1, window_bounds = array<i64: 4096, 128>}, {pipeline_mode = #tpu.pipeline_mode<synchronous>, transform_indices = @transform_2, window_bounds = array<i64: 1, 4096>}, {pipeline_mode = #tpu.pipeline_mode<synchronous>, transform_indices = @transform_3, window_bounds = array<i64: 1, 2048>}, {pipeline_mode = #tpu.pipeline_mode<synchronous>, transform_indices = @transform_4, window_bounds = array<i64: 2048, 128>}, {pipeline_mode = #tpu.pipeline_mode<synchronous>, transform_indices = @transform_5, window_bounds = array<i64: 1, 128>}, {transform_indices = @transform_6, window_bounds = array<i64: 512, 128>}, {pipeline_mode = #tpu.pipeline_mode<synchronous>, transform_indices = @transform_7, window_bounds = array<i64: 1, 128>}]} {
    %get3A = arith.constant 0 : index
    %get3A_0 = arith.constant 0 : index
    %get3A_1 = vector.load %arg1[%get3A, %get3A_0] : memref<512x4096xf32, #tpu.memory_space<vmem>>, vector<512x4096xf32>
    %get3A_2 = arith.constant 0 : index
    %get3A_3 = arith.constant 0 : index
    %get3A_4 = vector.load %arg2[%get3A_2, %get3A_3] : memref<4096x128xf32, #tpu.memory_space<vmem>>, vector<4096x128xf32>
    %dot_general3A = arith.constant dense<0.000000e+00> : vector<512x128xf32>
    %dot_general3A_5 = tpu.matmul %get3A_1, %get3A_4, %dot_general3A {dimension_numbers = #tpu.dot_dimension_numbers<[1], [0], [0], [1], [0, 0, 1, 1], [], []>, transpose_lhs_hint = false} : vector<512x4096xf32>, vector<4096x128xf32>, vector<512x128xf32> -> vector<512x128xf32>
    %swap3A = arith.constant 0 : index
    %swap3A_6 = arith.constant 0 : index
    %swap3A_7 = vector.load %arg7[%swap3A, %swap3A_6] : memref<512x128xf32, #tpu.memory_space<vmem>>, vector<512x128xf32>
    tpu.vector_store %arg7[%swap3A, %swap3A_6], %dot_general3A_5 {strides = array<i32>} : memref<512x128xf32, #tpu.memory_space<vmem>>, vector<512x128xf32>,
    %eq3A = arith.constant 0 : i32
    %eq3A_8 = arith.cmpi eq, %arg0, %eq3A : i32
    %convert_element_type3A = arith.extui %eq3A_8 : i1 to i32
    %cond3A = arith.constant 0 : i32
    %cond3A_9 = arith.cmpi ne, %convert_element_type3A, %cond3A : i32
    scf.if %cond3A_9 {
      %get3A_10 = arith.constant 0 : index
      %get3A_11 = arith.constant 0 : index
      %get3A_12 = vector.load %arg3[%get3A_10, %get3A_11] : memref<1x4096xf32, #tpu.memory_space<vmem>>, vector<1x4096xf32>
      %get3A_13 = arith.constant 0 : index
      %get3A_14 = arith.constant 0 : index
      %get3A_15 = vector.load %arg2[%get3A_13, %get3A_14] : memref<4096x128xf32, #tpu.memory_space<vmem>>, vector<4096x128xf32>
      %dot_general3A_16 = arith.constant dense<0.000000e+00> : vector<1x128xf32>
      %dot_general3A_17 = tpu.matmul %get3A_12, %get3A_15, %dot_general3A_16 {dimension_numbers = #tpu.dot_dimension_numbers<[1], [0], [0], [1], [0, 0, 1, 1], [], []>, transpose_lhs_hint = false} : vector<1x4096xf32>, vector<4096x128xf32>, vector<1x128xf32> -> vector<1x128xf32>
      %get3A_18 = arith.constant 0 : index
      %get3A_19 = arith.constant 0 : index
      %get3A_20 = vector.load %arg4[%get3A_18, %get3A_19] : memref<1x2048xf32, #tpu.memory_space<vmem>>, vector<1x2048xf32>
      %get3A_21 = arith.constant 0 : index
      %get3A_22 = arith.constant 0 : index
      %get3A_23 = vector.load %arg5[%get3A_21, %get3A_22] : memref<2048x128xf32, #tpu.memory_space<vmem>>, vector<2048x128xf32>
      %dot_general3A_24 = arith.constant dense<0.000000e+00> : vector<1x128xf32>
      %dot_general3A_25 = tpu.matmul %get3A_20, %get3A_23, %dot_general3A_24 {dimension_numbers = #tpu.dot_dimension_numbers<[1], [0], [0], [1], [0, 0, 1, 1], [], []>, transpose_lhs_hint = false} : vector<1x2048xf32>, vector<2048x128xf32>, vector<1x128xf32> -> vector<1x128xf32>
      %add3A = arith.addf %dot_general3A_17, %dot_general3A_25 : vector<1x128xf32>
      %get3A_26 = arith.constant 0 : index
      %get3A_27 = arith.constant 0 : index
      %get3A_28 = vector.load %arg6[%get3A_26, %get3A_27] : memref<1x128xf32, #tpu.memory_space<vmem>>, vector<1x128xf32>
      %add3A_29 = arith.addf %add3A, %get3A_28 : vector<1x128xf32>
      %swap3A_30 = arith.constant 0 : index
      %swap3A_31 = arith.constant 0 : index
      %swap3A_32 = vector.load %arg8[%swap3A_30, %swap3A_31] : memref<1x128xf32, #tpu.memory_space<vmem>>, vector<1x128xf32>
      tpu.vector_store %arg8[%swap3A_30, %swap3A_31], %add3A_29 {strides = array<i32>} : memref<1x128xf32, #tpu.memory_space<vmem>>, vector<1x128xf32>,
    } else {
    }
    return
  }
  func.func @transform_0(%arg0: i32) -> (i32, i32) {
    %c0_i32 = arith.constant 0 : i32
    %c0_i32_0 = arith.constant 0 : i32
    return %arg0, %c0_i32 : i32, i32
  }
  func.func @transform_1(%arg0: i32) -> (i32, i32) {
    %c0_i32 = arith.constant 0 : i32
    %c0_i32_0 = arith.constant 0 : i32
    %c0_i32_1 = arith.constant 0 : i32
    return %c0_i32, %c0_i32_0 : i32, i32
  }
  func.func @transform_2(%arg0: i32) -> (i32, i32) {
    %c0_i32 = arith.constant 0 : i32
    %c0_i32_0 = arith.constant 0 : i32
    %c0_i32_1 = arith.constant 0 : i32
    return %c0_i32, %c0_i32_0 : i32, i32
  }
  func.func @transform_3(%arg0: i32) -> (i32, i32) {
    %c0_i32 = arith.constant 0 : i32
    %c0_i32_0 = arith.constant 0 : i32
    %c0_i32_1 = arith.constant 0 : i32
    return %c0_i32, %c0_i32_0 : i32, i32
  }
  func.func @transform_4(%arg0: i32) -> (i32, i32) {
    %c0_i32 = arith.constant 0 : i32
    %c0_i32_0 = arith.constant 0 : i32
    %c0_i32_1 = arith.constant 0 : i32
    return %c0_i32, %c0_i32_0 : i32, i32
  }
  func.func @transform_5(%arg0: i32) -> (i32, i32) {
    %c0_i32 = arith.constant 0 : i32
    %c0_i32_0 = arith.constant 0 : i32
    %c0_i32_1 = arith.constant 0 : i32
    return %c0_i32, %c0_i32_0 : i32, i32
  }
  func.func @transform_6(%arg0: i32) -> (i32, i32) {
    %c0_i32 = arith.constant 0 : i32
    %c0_i32_0 = arith.constant 0 : i32
    return %arg0, %c0_i32 : i32, i32
  }
  func.func @transform_7(%arg0: i32) -> (i32, i32) {
    %c0_i32 = arith.constant 0 : i32
    %c0_i32_0 = arith.constant 0 : i32
    %c0_i32_1 = arith.constant 0 : i32
    return %c0_i32, %c0_i32_0 : i32, i32
  }
}

module attributes {stable_mosaic.version = 14 : i64} {
  func.func @_stats_kernel(%arg0: i32, %arg1: memref<2000x128xf32, #tpu.memory_space<vmem>>, %arg2: memref<2000x128xf32, #tpu.memory_space<vmem>>, %arg3: memref<128x512xf32, #tpu.memory_space<vmem>>, %arg4: memref<1x512xf32, #tpu.memory_space<vmem>>, %arg5: memref<128x512xf32, #tpu.memory_space<vmem>>, %arg6: memref<1x512xf32, #tpu.memory_space<vmem>>, %arg7: memref<2000x128xf32, #tpu.memory_space<vmem>>, %arg8: memref<8x512xf32, #tpu.memory_space<vmem>>) attributes {dimension_semantics = [#tpu.dimension_semantics<arbitrary>], iteration_bounds = array<i64: 5>, scalar_prefetch = 0 : i64, scratch_operands = 0 : i64, tpu.core_type = #tpu.core_type<tc>, window_params = [{transform_indices = @transform_0, window_bounds = array<i64: 2000, 128>}, {transform_indices = @transform_1, window_bounds = array<i64: 2000, 128>}, {pipeline_mode = #tpu.pipeline_mode<synchronous>, transform_indices = @transform_2, window_bounds = array<i64: 128, 512>}, {pipeline_mode = #tpu.pipeline_mode<synchronous>, transform_indices = @transform_3, window_bounds = array<i64: 1, 512>}, {pipeline_mode = #tpu.pipeline_mode<synchronous>, transform_indices = @transform_4, window_bounds = array<i64: 128, 512>}, {pipeline_mode = #tpu.pipeline_mode<synchronous>, transform_indices = @transform_5, window_bounds = array<i64: 1, 512>}, {transform_indices = @transform_6, window_bounds = array<i64: 2000, 128>}, {pipeline_mode = #tpu.pipeline_mode<synchronous>, transform_indices = @transform_7, window_bounds = array<i64: 8, 512>}]} {
    %get3A = arith.constant 0 : index
    %get3A_0 = arith.constant 0 : index
    %get3A_1 = vector.load %arg1[%get3A, %get3A_0] : memref<2000x128xf32, #tpu.memory_space<vmem>>, vector<2000x128xf32>
    %get3A_2 = arith.constant 0 : index
    %get3A_3 = arith.constant 0 : index
    %get3A_4 = vector.load %arg2[%get3A_2, %get3A_3] : memref<2000x128xf32, #tpu.memory_space<vmem>>, vector<2000x128xf32>
    %add3A = arith.addf %get3A_1, %get3A_4 : vector<2000x128xf32>
    %swap3A = arith.constant 0 : index
    %swap3A_5 = arith.constant 0 : index
    %swap3A_6 = vector.load %arg7[%swap3A, %swap3A_5] : memref<2000x128xf32, #tpu.memory_space<vmem>>, vector<2000x128xf32>
    tpu.vector_store %arg7[%swap3A, %swap3A_5], %add3A {strides = array<i32>} : memref<2000x128xf32, #tpu.memory_space<vmem>>, vector<2000x128xf32>,
    %convert_element_type3A = arith.truncf %add3A : vector<2000x128xf32> to vector<2000x128xbf16>
    %get3A_7 = arith.constant 0 : index
    %get3A_8 = arith.constant 0 : index
    %get3A_9 = vector.load %arg3[%get3A_7, %get3A_8] : memref<128x512xf32, #tpu.memory_space<vmem>>, vector<128x512xf32>
    %convert_element_type3A_10 = arith.truncf %get3A_9 : vector<128x512xf32> to vector<128x512xbf16>
    %dot_general3A = arith.constant dense<0.000000e+00> : vector<2000x512xf32>
    %dot_general3A_11 = tpu.matmul %convert_element_type3A, %convert_element_type3A_10, %dot_general3A {dimension_numbers = #tpu.dot_dimension_numbers<[1], [0], [0], [1], [0, 0, 1, 1], [], []>, transpose_lhs_hint = false} : vector<2000x128xbf16>, vector<128x512xbf16>, vector<2000x512xf32> -> vector<2000x512xf32>
    %get3A_12 = arith.constant 0 : index
    %get3A_13 = arith.constant 0 : index
    %get3A_14 = vector.load %arg4[%get3A_12, %get3A_13] : memref<1x512xf32, #tpu.memory_space<vmem>>, vector<1x512xf32>
    %add3A_15 = vector.broadcast %get3A_14 : vector<1x512xf32> to vector<2000x512xf32>
    %add3A_16 = arith.addf %dot_general3A_11, %add3A_15 : vector<2000x512xf32>
    %get3A_17 = arith.constant 0 : index
    %get3A_18 = arith.constant 0 : index
    %get3A_19 = vector.load %arg5[%get3A_17, %get3A_18] : memref<128x512xf32, #tpu.memory_space<vmem>>, vector<128x512xf32>
    %convert_element_type3A_20 = arith.truncf %get3A_19 : vector<128x512xf32> to vector<128x512xbf16>
    %dot_general3A_21 = arith.constant dense<0.000000e+00> : vector<2000x512xf32>
    %dot_general3A_22 = tpu.matmul %convert_element_type3A, %convert_element_type3A_20, %dot_general3A_21 {dimension_numbers = #tpu.dot_dimension_numbers<[1], [0], [0], [1], [0, 0, 1, 1], [], []>, transpose_lhs_hint = false} : vector<2000x128xbf16>, vector<128x512xbf16>, vector<2000x512xf32> -> vector<2000x512xf32>
    %get3A_23 = arith.constant 0 : index
    %get3A_24 = arith.constant 0 : index
    %get3A_25 = vector.load %arg6[%get3A_23, %get3A_24] : memref<1x512xf32, #tpu.memory_space<vmem>>, vector<1x512xf32>
    %add3A_26 = vector.broadcast %get3A_25 : vector<1x512xf32> to vector<2000x512xf32>
    %add3A_27 = arith.addf %dot_general3A_22, %add3A_26 : vector<2000x512xf32>
    %reduce_sum3A = arith.constant dense<0.000000e+00> : vector<512xf32>
    %reduce_sum3A_28 = vector.multi_reduction <add>, %add3A_16, %reduce_sum3A [0] : vector<2000x512xf32> to vector<512xf32>
    %broadcast_in_dim3A = vector.shape_cast %reduce_sum3A_28 : vector<512xf32> to vector<1x512xf32>
    %mul3A = arith.mulf %add3A_16, %add3A_16 : vector<2000x512xf32>
    %reduce_sum3A_29 = arith.constant dense<0.000000e+00> : vector<512xf32>
    %reduce_sum3A_30 = vector.multi_reduction <add>, %mul3A, %reduce_sum3A_29 [0] : vector<2000x512xf32> to vector<512xf32>
    %broadcast_in_dim3A_31 = vector.shape_cast %reduce_sum3A_30 : vector<512xf32> to vector<1x512xf32>
    %reduce_sum3A_32 = arith.constant dense<0.000000e+00> : vector<512xf32>
    %reduce_sum3A_33 = vector.multi_reduction <add>, %add3A_27, %reduce_sum3A_32 [0] : vector<2000x512xf32> to vector<512xf32>
    %broadcast_in_dim3A_34 = vector.shape_cast %reduce_sum3A_33 : vector<512xf32> to vector<1x512xf32>
    %mul3A_35 = arith.mulf %add3A_27, %add3A_27 : vector<2000x512xf32>
    %reduce_sum3A_36 = arith.constant dense<0.000000e+00> : vector<512xf32>
    %reduce_sum3A_37 = vector.multi_reduction <add>, %mul3A_35, %reduce_sum3A_36 [0] : vector<2000x512xf32> to vector<512xf32>
    %broadcast_in_dim3A_38 = vector.shape_cast %reduce_sum3A_37 : vector<512xf32> to vector<1x512xf32>
    %broadcast_in_dim3A_39 = arith.constant 0.000000e+00 : f32
    %broadcast_in_dim3A_40 = vector.broadcast %broadcast_in_dim3A_39 : f32 to vector<4x512xf32>
    %concatenate3A = tpu.concatenate %broadcast_in_dim3A, %broadcast_in_dim3A_31, %broadcast_in_dim3A_34, %broadcast_in_dim3A_38, %broadcast_in_dim3A_40 in 0 : vector<1x512xf32>, vector<1x512xf32>, vector<1x512xf32>, vector<1x512xf32>, vector<4x512xf32> -> vector<8x512xf32>
    %eq3A = arith.constant 0 : i32
    %eq3A_41 = arith.cmpi eq, %arg0, %eq3A : i32
    %convert_element_type3A_42 = arith.extui %eq3A_41 : i1 to i32
    %cond3A = arith.constant 0 : i32
    %cond3A_43 = arith.cmpi ne, %convert_element_type3A_42, %cond3A : i32
    scf.if %cond3A_43 {
      %broadcast_in_dim3A_51 = arith.constant 0.000000e+00 : f32
      %broadcast_in_dim3A_52 = vector.broadcast %broadcast_in_dim3A_51 : f32 to vector<8x512xf32>
      %swap3A_53 = arith.constant 0 : index
      %swap3A_54 = arith.constant 0 : index
      %swap3A_55 = vector.load %arg8[%swap3A_53, %swap3A_54] : memref<8x512xf32, #tpu.memory_space<vmem>>, vector<8x512xf32>
      tpu.vector_store %arg8[%swap3A_53, %swap3A_54], %broadcast_in_dim3A_52 {strides = array<i32>} : memref<8x512xf32, #tpu.memory_space<vmem>>, vector<8x512xf32>,
    } else {
    }
    %get3A_44 = arith.constant 0 : index
    %get3A_45 = arith.constant 0 : index
    %get3A_46 = vector.load %arg8[%get3A_44, %get3A_45] : memref<8x512xf32, #tpu.memory_space<vmem>>, vector<8x512xf32>
    %add3A_47 = arith.addf %get3A_46, %concatenate3A : vector<8x512xf32>
    %swap3A_48 = arith.constant 0 : index
    %swap3A_49 = arith.constant 0 : index
    %swap3A_50 = vector.load %arg8[%swap3A_48, %swap3A_49] : memref<8x512xf32, #tpu.memory_space<vmem>>, vector<8x512xf32>
    tpu.vector_store %arg8[%swap3A_48, %swap3A_49], %add3A_47 {strides = array<i32>} : memref<8x512xf32, #tpu.memory_space<vmem>>, vector<8x512xf32>,
    return
  }
  func.func @transform_0(%arg0: i32) -> (i32, i32) {
    %c0_i32 = arith.constant 0 : i32
    %c0_i32_0 = arith.constant 0 : i32
    return %arg0, %c0_i32 : i32, i32
  }
  func.func @transform_1(%arg0: i32) -> (i32, i32) {
    %c0_i32 = arith.constant 0 : i32
    %c0_i32_0 = arith.constant 0 : i32
    return %arg0, %c0_i32 : i32, i32
  }
  func.func @transform_2(%arg0: i32) -> (i32, i32) {
    %c0_i32 = arith.constant 0 : i32
    %c0_i32_0 = arith.constant 0 : i32
    %c0_i32_1 = arith.constant 0 : i32
    return %c0_i32, %c0_i32_0 : i32, i32
  }
  func.func @transform_3(%arg0: i32) -> (i32, i32) {
    %c0_i32 = arith.constant 0 : i32
    %c0_i32_0 = arith.constant 0 : i32
    %c0_i32_1 = arith.constant 0 : i32
    return %c0_i32, %c0_i32_0 : i32, i32
  }
  func.func @transform_4(%arg0: i32) -> (i32, i32) {
    %c0_i32 = arith.constant 0 : i32
    %c0_i32_0 = arith.constant 0 : i32
    %c0_i32_1 = arith.constant 0 : i32
    return %c0_i32, %c0_i32_0 : i32, i32
  }
  func.func @transform_5(%arg0: i32) -> (i32, i32) {
    %c0_i32 = arith.constant 0 : i32
    %c0_i32_0 = arith.constant 0 : i32
    %c0_i32_1 = arith.constant 0 : i32
    return %c0_i32, %c0_i32_0 : i32, i32
  }
  func.func @transform_6(%arg0: i32) -> (i32, i32) {
    %c0_i32 = arith.constant 0 : i32
    %c0_i32_0 = arith.constant 0 : i32
    return %arg0, %c0_i32 : i32, i32
  }
  func.func @transform_7(%arg0: i32) -> (i32, i32) {
    %c0_i32 = arith.constant 0 : i32
    %c0_i32_0 = arith.constant 0 : i32
    %c0_i32_1 = arith.constant 0 : i32
    return %c0_i32, %c0_i32_0 : i32, i32
  }
}

module attributes {stable_mosaic.version = 14 : i64} {
  func.func @_head_kernel(%arg0: i32, %arg1: memref<2000x128xf32, #tpu.memory_space<vmem>>, %arg2: memref<8x512xf32, #tpu.memory_space<vmem>>, %arg3: memref<128x512xf32, #tpu.memory_space<vmem>>, %arg4: memref<1x512xf32, #tpu.memory_space<vmem>>, %arg5: memref<128x512xf32, #tpu.memory_space<vmem>>, %arg6: memref<1x512xf32, #tpu.memory_space<vmem>>, %arg7: memref<1x512xf32, #tpu.memory_space<vmem>>, %arg8: memref<1x512xf32, #tpu.memory_space<vmem>>, %arg9: memref<1x512xf32, #tpu.memory_space<vmem>>, %arg10: memref<1x512xf32, #tpu.memory_space<vmem>>, %arg11: memref<512x512xf32, #tpu.memory_space<vmem>>, %arg12: memref<1x512xf32, #tpu.memory_space<vmem>>, %arg13: memref<512x512xf32, #tpu.memory_space<vmem>>, %arg14: memref<1x512xf32, #tpu.memory_space<vmem>>, %arg15: memref<1024x2048xf32, #tpu.memory_space<vmem>>, %arg16: memref<1x2048xf32, #tpu.memory_space<vmem>>, %arg17: memref<2048x128xf32, #tpu.memory_space<vmem>>, %arg18: memref<1x128xf32, #tpu.memory_space<vmem>>, %arg19: memref<2000x128xf32, #tpu.memory_space<vmem>>) attributes {dimension_semantics = [#tpu.dimension_semantics<arbitrary>], iteration_bounds = array<i64: 5>, scalar_prefetch = 0 : i64, scratch_operands = 0 : i64, tpu.core_type = #tpu.core_type<tc>, window_params = [{transform_indices = @transform_0, window_bounds = array<i64: 2000, 128>}, {pipeline_mode = #tpu.pipeline_mode<synchronous>, transform_indices = @transform_1, window_bounds = array<i64: 8, 512>}, {pipeline_mode = #tpu.pipeline_mode<synchronous>, transform_indices = @transform_2, window_bounds = array<i64: 128, 512>}, {pipeline_mode = #tpu.pipeline_mode<synchronous>, transform_indices = @transform_3, window_bounds = array<i64: 1, 512>}, {pipeline_mode = #tpu.pipeline_mode<synchronous>, transform_indices = @transform_4, window_bounds = array<i64: 128, 512>}, {pipeline_mode = #tpu.pipeline_mode<synchronous>, transform_indices = @transform_5, window_bounds = array<i64: 1, 512>}, {pipeline_mode = #tpu.pipeline_mode<synchronous>, transform_indices = @transform_6, window_bounds = array<i64: 1, 512>}, {pipeline_mode = #tpu.pipeline_mode<synchronous>, transform_indices = @transform_7, window_bounds = array<i64: 1, 512>}, {pipeline_mode = #tpu.pipeline_mode<synchronous>, transform_indices = @transform_8, window_bounds = array<i64: 1, 512>}, {pipeline_mode = #tpu.pipeline_mode<synchronous>, transform_indices = @transform_9, window_bounds = array<i64: 1, 512>}, {pipeline_mode = #tpu.pipeline_mode<synchronous>, transform_indices = @transform_10, window_bounds = array<i64: 512, 512>}, {pipeline_mode = #tpu.pipeline_mode<synchronous>, transform_indices = @transform_11, window_bounds = array<i64: 1, 512>}, {pipeline_mode = #tpu.pipeline_mode<synchronous>, transform_indices = @transform_12, window_bounds = array<i64: 512, 512>}, {pipeline_mode = #tpu.pipeline_mode<synchronous>, transform_indices = @transform_13, window_bounds = array<i64: 1, 512>}, {pipeline_mode = #tpu.pipeline_mode<synchronous>, transform_indices = @transform_14, window_bounds = array<i64: 1024, 2048>}, {pipeline_mode = #tpu.pipeline_mode<synchronous>, transform_indices = @transform_15, window_bounds = array<i64: 1, 2048>}, {pipeline_mode = #tpu.pipeline_mode<synchronous>, transform_indices = @transform_16, window_bounds = array<i64: 2048, 128>}, {pipeline_mode = #tpu.pipeline_mode<synchronous>, transform_indices = @transform_17, window_bounds = array<i64: 1, 128>}, {transform_indices = @transform_18, window_bounds = array<i64: 2000, 128>}]} {
    %get3A = arith.constant 0 : index
    %get3A_0 = arith.constant 0 : index
    %get3A_1 = vector.load %arg2[%get3A, %get3A_0] : memref<8x512xf32, #tpu.memory_space<vmem>>, vector<8x512xf32>
    %slice3A = vector.extract_strided_slice %get3A_1 {offsets = [0, 0], sizes = [1, 512], strides = [1, 1]} : vector<8x512xf32> to vector<1x512xf32>
    %mul3A = arith.constant 9.99999974E-5 : f32
    %mul3A_2 = vector.broadcast %mul3A : f32 to vector<1x512xf32>
    %mul3A_3 = arith.mulf %slice3A, %mul3A_2 : vector<1x512xf32>
    %slice3A_4 = vector.extract_strided_slice %get3A_1 {offsets = [1, 0], sizes = [1, 512], strides = [1, 1]} : vector<8x512xf32> to vector<1x512xf32>
    %mul3A_5 = arith.constant 9.99999974E-5 : f32
    %mul3A_6 = vector.broadcast %mul3A_5 : f32 to vector<1x512xf32>
    %mul3A_7 = arith.mulf %slice3A_4, %mul3A_6 : vector<1x512xf32>
    %mul3A_8 = arith.mulf %mul3A_3, %mul3A_3 : vector<1x512xf32>
    %sub3A = arith.subf %mul3A_7, %mul3A_8 : vector<1x512xf32>
    %get3A_9 = arith.constant 0 : index
    %get3A_10 = arith.constant 0 : index
    %get3A_11 = vector.load %arg7[%get3A_9, %get3A_10] : memref<1x512xf32, #tpu.memory_space<vmem>>, vector<1x512xf32>
    %add3A = arith.constant 9.99999974E-6 : f32
    %add3A_12 = vector.broadcast %add3A : f32 to vector<1x512xf32>
    %add3A_13 = arith.addf %sub3A, %add3A_12 : vector<1x512xf32>
    %rsqrt3A = math.rsqrt %add3A_13 : vector<1x512xf32>
    %mul3A_14 = arith.mulf %get3A_11, %rsqrt3A : vector<1x512xf32>
    %get3A_15 = arith.constant 0 : index
    %get3A_16 = arith.constant 0 : index
    %get3A_17 = vector.load %arg8[%get3A_15, %get3A_16] : memref<1x512xf32, #tpu.memory_space<vmem>>, vector<1x512xf32>
    %mul3A_18 = arith.mulf %mul3A_3, %mul3A_14 : vector<1x512xf32>
    %sub3A_19 = arith.subf %get3A_17, %mul3A_18 : vector<1x512xf32>
    %slice3A_20 = vector.extract_strided_slice %get3A_1 {offsets = [2, 0], sizes = [1, 512], strides = [1, 1]} : vector<8x512xf32> to vector<1x512xf32>
    %mul3A_21 = arith.constant 9.99999974E-5 : f32
    %mul3A_22 = vector.broadcast %mul3A_21 : f32 to vector<1x512xf32>
    %mul3A_23 = arith.mulf %slice3A_20, %mul3A_22 : vector<1x512xf32>
    %slice3A_24 = vector.extract_strided_slice %get3A_1 {offsets = [3, 0], sizes = [1, 512], strides = [1, 1]} : vector<8x512xf32> to vector<1x512xf32>
    %mul3A_25 = arith.constant 9.99999974E-5 : f32
    %mul3A_26 = vector.broadcast %mul3A_25 : f32 to vector<1x512xf32>
    %mul3A_27 = arith.mulf %slice3A_24, %mul3A_26 : vector<1x512xf32>
    %mul3A_28 = arith.mulf %mul3A_23, %mul3A_23 : vector<1x512xf32>
    %sub3A_29 = arith.subf %mul3A_27, %mul3A_28 : vector<1x512xf32>
    %get3A_30 = arith.constant 0 : index
    %get3A_31 = arith.constant 0 : index
    %get3A_32 = vector.load %arg9[%get3A_30, %get3A_31] : memref<1x512xf32, #tpu.memory_space<vmem>>, vector<1x512xf32>
    %add3A_33 = arith.constant 9.99999974E-6 : f32
    %add3A_34 = vector.broadcast %add3A_33 : f32 to vector<1x512xf32>
    %add3A_35 = arith.addf %sub3A_29, %add3A_34 : vector<1x512xf32>
    %rsqrt3A_36 = math.rsqrt %add3A_35 : vector<1x512xf32>
    %mul3A_37 = arith.mulf %get3A_32, %rsqrt3A_36 : vector<1x512xf32>
    %get3A_38 = arith.constant 0 : index
    %get3A_39 = arith.constant 0 : index
    %get3A_40 = vector.load %arg10[%get3A_38, %get3A_39] : memref<1x512xf32, #tpu.memory_space<vmem>>, vector<1x512xf32>
    %mul3A_41 = arith.mulf %mul3A_23, %mul3A_37 : vector<1x512xf32>
    %sub3A_42 = arith.subf %get3A_40, %mul3A_41 : vector<1x512xf32>
    %get3A_43 = arith.constant 0 : index
    %get3A_44 = arith.constant 0 : index
    %get3A_45 = vector.load %arg1[%get3A_43, %get3A_44] : memref<2000x128xf32, #tpu.memory_space<vmem>>, vector<2000x128xf32>
    %convert_element_type3A = arith.truncf %get3A_45 : vector<2000x128xf32> to vector<2000x128xbf16>
    %get3A_46 = arith.constant 0 : index
    %get3A_47 = arith.constant 0 : index
    %get3A_48 = vector.load %arg3[%get3A_46, %get3A_47] : memref<128x512xf32, #tpu.memory_space<vmem>>, vector<128x512xf32>
    %convert_element_type3A_49 = arith.truncf %get3A_48 : vector<128x512xf32> to vector<128x512xbf16>
    %dot_general3A = arith.constant dense<0.000000e+00> : vector<2000x512xf32>
    %dot_general3A_50 = tpu.matmul %convert_element_type3A, %convert_element_type3A_49, %dot_general3A {dimension_numbers = #tpu.dot_dimension_numbers<[1], [0], [0], [1], [0, 0, 1, 1], [], []>, transpose_lhs_hint = false} : vector<2000x128xbf16>, vector<128x512xbf16>, vector<2000x512xf32> -> vector<2000x512xf32>
    %get3A_51 = arith.constant 0 : index
    %get3A_52 = arith.constant 0 : index
    %get3A_53 = vector.load %arg4[%get3A_51, %get3A_52] : memref<1x512xf32, #tpu.memory_space<vmem>>, vector<1x512xf32>
    %add3A_54 = vector.broadcast %get3A_53 : vector<1x512xf32> to vector<2000x512xf32>
    %add3A_55 = arith.addf %dot_general3A_50, %add3A_54 : vector<2000x512xf32>
    %get3A_56 = arith.constant 0 : index
    %get3A_57 = arith.constant 0 : index
    %get3A_58 = vector.load %arg5[%get3A_56, %get3A_57] : memref<128x512xf32, #tpu.memory_space<vmem>>, vector<128x512xf32>
    %convert_element_type3A_59 = arith.truncf %get3A_58 : vector<128x512xf32> to vector<128x512xbf16>
    %dot_general3A_60 = arith.constant dense<0.000000e+00> : vector<2000x512xf32>
    %dot_general3A_61 = tpu.matmul %convert_element_type3A, %convert_element_type3A_59, %dot_general3A_60 {dimension_numbers = #tpu.dot_dimension_numbers<[1], [0], [0], [1], [0, 0, 1, 1], [], []>, transpose_lhs_hint = false} : vector<2000x128xbf16>, vector<128x512xbf16>, vector<2000x512xf32> -> vector<2000x512xf32>
    %get3A_62 = arith.constant 0 : index
    %get3A_63 = arith.constant 0 : index
    %get3A_64 = vector.load %arg6[%get3A_62, %get3A_63] : memref<1x512xf32, #tpu.memory_space<vmem>>, vector<1x512xf32>
    %add3A_65 = vector.broadcast %get3A_64 : vector<1x512xf32> to vector<2000x512xf32>
    %add3A_66 = arith.addf %dot_general3A_61, %add3A_65 : vector<2000x512xf32>
    %mul3A_67 = vector.broadcast %mul3A_14 : vector<1x512xf32> to vector<2000x512xf32>
    %mul3A_68 = arith.mulf %add3A_55, %mul3A_67 : vector<2000x512xf32>
    %add3A_69 = vector.broadcast %sub3A_19 : vector<1x512xf32> to vector<2000x512xf32>
    %add3A_70 = arith.addf %mul3A_68, %add3A_69 : vector<2000x512xf32>
    %max3A = arith.constant 0.000000e+00 : f32
    %max3A_71 = vector.broadcast %max3A : f32 to vector<2000x512xf32>
    %max3A_72 = arith.maximumf %add3A_70, %max3A_71 : vector<2000x512xf32>
    %convert_element_type3A_73 = arith.truncf %max3A_72 : vector<2000x512xf32> to vector<2000x512xbf16>
    %get3A_74 = arith.constant 0 : index
    %get3A_75 = arith.constant 0 : index
    %get3A_76 = vector.load %arg11[%get3A_74, %get3A_75] : memref<512x512xf32, #tpu.memory_space<vmem>>, vector<512x512xf32>
    %convert_element_type3A_77 = arith.truncf %get3A_76 : vector<512x512xf32> to vector<512x512xbf16>
    %dot_general3A_78 = arith.constant dense<0.000000e+00> : vector<2000x512xf32>
    %dot_general3A_79 = tpu.matmul %convert_element_type3A_73, %convert_element_type3A_77, %dot_general3A_78 {dimension_numbers = #tpu.dot_dimension_numbers<[1], [0], [0], [1], [0, 0, 1, 1], [], []>, transpose_lhs_hint = false} : vector<2000x512xbf16>, vector<512x512xbf16>, vector<2000x512xf32> -> vector<2000x512xf32>
    %get3A_80 = arith.constant 0 : index
    %get3A_81 = arith.constant 0 : index
    %get3A_82 = vector.load %arg12[%get3A_80, %get3A_81] : memref<1x512xf32, #tpu.memory_space<vmem>>, vector<1x512xf32>
    %add3A_83 = vector.broadcast %get3A_82 : vector<1x512xf32> to vector<2000x512xf32>
    %add3A_84 = arith.addf %dot_general3A_79, %add3A_83 : vector<2000x512xf32>
    %max3A_85 = arith.constant 0.000000e+00 : f32
    %max3A_86 = vector.broadcast %max3A_85 : f32 to vector<2000x512xf32>
    %max3A_87 = arith.maximumf %add3A_84, %max3A_86 : vector<2000x512xf32>
    %mul3A_88 = vector.broadcast %mul3A_37 : vector<1x512xf32> to vector<2000x512xf32>
    %mul3A_89 = arith.mulf %add3A_66, %mul3A_88 : vector<2000x512xf32>
    %add3A_90 = vector.broadcast %sub3A_42 : vector<1x512xf32> to vector<2000x512xf32>
    %add3A_91 = arith.addf %mul3A_89, %add3A_90 : vector<2000x512xf32>
    %max3A_92 = arith.constant 0.000000e+00 : f32
    %max3A_93 = vector.broadcast %max3A_92 : f32 to vector<2000x512xf32>
    %max3A_94 = arith.maximumf %add3A_91, %max3A_93 : vector<2000x512xf32>
    %convert_element_type3A_95 = arith.truncf %max3A_94 : vector<2000x512xf32> to vector<2000x512xbf16>
    %get3A_96 = arith.constant 0 : index
    %get3A_97 = arith.constant 0 : index
    %get3A_98 = vector.load %arg13[%get3A_96, %get3A_97] : memref<512x512xf32, #tpu.memory_space<vmem>>, vector<512x512xf32>
    %convert_element_type3A_99 = arith.truncf %get3A_98 : vector<512x512xf32> to vector<512x512xbf16>
    %dot_general3A_100 = arith.constant dense<0.000000e+00> : vector<2000x512xf32>
    %dot_general3A_101 = tpu.matmul %convert_element_type3A_95, %convert_element_type3A_99, %dot_general3A_100 {dimension_numbers = #tpu.dot_dimension_numbers<[1], [0], [0], [1], [0, 0, 1, 1], [], []>, transpose_lhs_hint = false} : vector<2000x512xbf16>, vector<512x512xbf16>, vector<2000x512xf32> -> vector<2000x512xf32>
    %get3A_102 = arith.constant 0 : index
    %get3A_103 = arith.constant 0 : index
    %get3A_104 = vector.load %arg14[%get3A_102, %get3A_103] : memref<1x512xf32, #tpu.memory_space<vmem>>, vector<1x512xf32>
    %add3A_105 = vector.broadcast %get3A_104 : vector<1x512xf32> to vector<2000x512xf32>
    %add3A_106 = arith.addf %dot_general3A_101, %add3A_105 : vector<2000x512xf32>
    %max3A_107 = arith.constant 0.000000e+00 : f32
    %max3A_108 = vector.broadcast %max3A_107 : f32 to vector<2000x512xf32>
    %max3A_109 = arith.maximumf %add3A_106, %max3A_108 : vector<2000x512xf32>
    %concatenate3A = tpu.concatenate %max3A_87, %max3A_109 in 1 : vector<2000x512xf32>, vector<2000x512xf32> -> vector<2000x1024xf32>
    %convert_element_type3A_110 = arith.truncf %concatenate3A : vector<2000x1024xf32> to vector<2000x1024xbf16>
    %get3A_111 = arith.constant 0 : index
    %get3A_112 = arith.constant 0 : index
    %get3A_113 = vector.load %arg15[%get3A_111, %get3A_112] : memref<1024x2048xf32, #tpu.memory_space<vmem>>, vector<1024x2048xf32>
    %convert_element_type3A_114 = arith.truncf %get3A_113 : vector<1024x2048xf32> to vector<1024x2048xbf16>
    %dot_general3A_115 = arith.constant dense<0.000000e+00> : vector<2000x2048xf32>
    %dot_general3A_116 = tpu.matmul %convert_element_type3A_110, %convert_element_type3A_114, %dot_general3A_115 {dimension_numbers = #tpu.dot_dimension_numbers<[1], [0], [0], [1], [0, 0, 1, 1], [], []>, transpose_lhs_hint = false} : vector<2000x1024xbf16>, vector<1024x2048xbf16>, vector<2000x2048xf32> -> vector<2000x2048xf32>
    %get3A_117 = arith.constant 0 : index
    %get3A_118 = arith.constant 0 : index
    %get3A_119 = vector.load %arg16[%get3A_117, %get3A_118] : memref<1x2048xf32, #tpu.memory_space<vmem>>, vector<1x2048xf32>
    %add3A_120 = vector.broadcast %get3A_119 : vector<1x2048xf32> to vector<2000x2048xf32>
    %add3A_121 = arith.addf %dot_general3A_116, %add3A_120 : vector<2000x2048xf32>
    %gt3A = arith.constant 0.000000e+00 : f32
    %gt3A_122 = vector.broadcast %gt3A : f32 to vector<2000x2048xf32>
    %gt3A_123 = arith.cmpf ogt, %add3A_121, %gt3A_122 : vector<2000x2048xf32>
    %mul3A_124 = arith.constant 0.00999999977 : f32
    %mul3A_125 = vector.broadcast %mul3A_124 : f32 to vector<2000x2048xf32>
    %mul3A_126 = arith.mulf %mul3A_125, %add3A_121 : vector<2000x2048xf32>
    %select_n3A = arith.select %gt3A_123, %add3A_121, %mul3A_126 : vector<2000x2048xi1>, vector<2000x2048xf32>
    %convert_element_type3A_127 = arith.truncf %select_n3A : vector<2000x2048xf32> to vector<2000x2048xbf16>
    %get3A_128 = arith.constant 0 : index
    %get3A_129 = arith.constant 0 : index
    %get3A_130 = vector.load %arg17[%get3A_128, %get3A_129] : memref<2048x128xf32, #tpu.memory_space<vmem>>, vector<2048x128xf32>
    %convert_element_type3A_131 = arith.truncf %get3A_130 : vector<2048x128xf32> to vector<2048x128xbf16>
    %dot_general3A_132 = arith.constant dense<0.000000e+00> : vector<2000x128xf32>
    %dot_general3A_133 = tpu.matmul %convert_element_type3A_127, %convert_element_type3A_131, %dot_general3A_132 {dimension_numbers = #tpu.dot_dimension_numbers<[1], [0], [0], [1], [0, 0, 1, 1], [], []>, transpose_lhs_hint = false} : vector<2000x2048xbf16>, vector<2048x128xbf16>, vector<2000x128xf32> -> vector<2000x128xf32>
    %get3A_134 = arith.constant 0 : index
    %get3A_135 = arith.constant 0 : index
    %get3A_136 = vector.load %arg18[%get3A_134, %get3A_135] : memref<1x128xf32, #tpu.memory_space<vmem>>, vector<1x128xf32>
    %add3A_137 = vector.broadcast %get3A_136 : vector<1x128xf32> to vector<2000x128xf32>
    %add3A_138 = arith.addf %dot_general3A_133, %add3A_137 : vector<2000x128xf32>
    %neg3A = arith.constant 0.000000e+00 : f32
    %neg3A_139 = vector.broadcast %neg3A : f32 to vector<2000x128xf32>
    %neg3A_140 = arith.subf %neg3A_139, %add3A_138 : vector<2000x128xf32>
    %exp3A = math.exp %neg3A_140 : vector<2000x128xf32>
    %add3A_141 = arith.constant 1.000000e+00 : f32
    %add3A_142 = vector.broadcast %add3A_141 : f32 to vector<2000x128xf32>
    %add3A_143 = arith.addf %add3A_142, %exp3A : vector<2000x128xf32>
    %div3A = arith.constant 1.000000e+00 : f32
    %div3A_144 = vector.broadcast %div3A : f32 to vector<2000x128xf32>
    %div3A_145 = arith.divf %div3A_144, %add3A_143 : vector<2000x128xf32>
    %swap3A = arith.constant 0 : index
    %swap3A_146 = arith.constant 0 : index
    %swap3A_147 = vector.load %arg19[%swap3A, %swap3A_146] : memref<2000x128xf32, #tpu.memory_space<vmem>>, vector<2000x128xf32>
    tpu.vector_store %arg19[%swap3A, %swap3A_146], %div3A_145 {strides = array<i32>} : memref<2000x128xf32, #tpu.memory_space<vmem>>, vector<2000x128xf32>,
    return
  }
  func.func @transform_0(%arg0: i32) -> (i32, i32) {
    %c0_i32 = arith.constant 0 : i32
    %c0_i32_0 = arith.constant 0 : i32
    return %arg0, %c0_i32 : i32, i32
  }
  func.func @transform_1(%arg0: i32) -> (i32, i32) {
    %c0_i32 = arith.constant 0 : i32
    %c0_i32_0 = arith.constant 0 : i32
    %c0_i32_1 = arith.constant 0 : i32
    return %c0_i32, %c0_i32_0 : i32, i32
  }
  func.func @transform_2(%arg0: i32) -> (i32, i32) {
    %c0_i32 = arith.constant 0 : i32
    %c0_i32_0 = arith.constant 0 : i32
    %c0_i32_1 = arith.constant 0 : i32
    return %c0_i32, %c0_i32_0 : i32, i32
  }
  func.func @transform_3(%arg0: i32) -> (i32, i32) {
    %c0_i32 = arith.constant 0 : i32
    %c0_i32_0 = arith.constant 0 : i32
    %c0_i32_1 = arith.constant 0 : i32
    return %c0_i32, %c0_i32_0 : i32, i32
  }
  func.func @transform_4(%arg0: i32) -> (i32, i32) {
    %c0_i32 = arith.constant 0 : i32
    %c0_i32_0 = arith.constant 0 : i32
    %c0_i32_1 = arith.constant 0 : i32
    return %c0_i32, %c0_i32_0 : i32, i32
  }
  func.func @transform_5(%arg0: i32) -> (i32, i32) {
    %c0_i32 = arith.constant 0 : i32
    %c0_i32_0 = arith.constant 0 : i32
    %c0_i32_1 = arith.constant 0 : i32
    return %c0_i32, %c0_i32_0 : i32, i32
  }
  func.func @transform_6(%arg0: i32) -> (i32, i32) {
    %c0_i32 = arith.constant 0 : i32
    %c0_i32_0 = arith.constant 0 : i32
    %c0_i32_1 = arith.constant 0 : i32
    return %c0_i32, %c0_i32_0 : i32, i32
  }
  func.func @transform_7(%arg0: i32) -> (i32, i32) {
    %c0_i32 = arith.constant 0 : i32
    %c0_i32_0 = arith.constant 0 : i32
    %c0_i32_1 = arith.constant 0 : i32
    return %c0_i32, %c0_i32_0 : i32, i32
  }
  func.func @transform_8(%arg0: i32) -> (i32, i32) {
    %c0_i32 = arith.constant 0 : i32
    %c0_i32_0 = arith.constant 0 : i32
    %c0_i32_1 = arith.constant 0 : i32
    return %c0_i32, %c0_i32_0 : i32, i32
  }
  func.func @transform_9(%arg0: i32) -> (i32, i32) {
    %c0_i32 = arith.constant 0 : i32
    %c0_i32_0 = arith.constant 0 : i32
    %c0_i32_1 = arith.constant 0 : i32
    return %c0_i32, %c0_i32_0 : i32, i32
  }
  func.func @transform_10(%arg0: i32) -> (i32, i32) {
    %c0_i32 = arith.constant 0 : i32
    %c0_i32_0 = arith.constant 0 : i32
    %c0_i32_1 = arith.constant 0 : i32
    return %c0_i32, %c0_i32_0 : i32, i32
  }
  func.func @transform_11(%arg0: i32) -> (i32, i32) {
    %c0_i32 = arith.constant 0 : i32
    %c0_i32_0 = arith.constant 0 : i32
    %c0_i32_1 = arith.constant 0 : i32
    return %c0_i32, %c0_i32_0 : i32, i32
  }
  func.func @transform_12(%arg0: i32) -> (i32, i32) {
    %c0_i32 = arith.constant 0 : i32
    %c0_i32_0 = arith.constant 0 : i32
    %c0_i32_1 = arith.constant 0 : i32
    return %c0_i32, %c0_i32_0 : i32, i32
  }
  func.func @transform_13(%arg0: i32) -> (i32, i32) {
    %c0_i32 = arith.constant 0 : i32
    %c0_i32_0 = arith.constant 0 : i32
    %c0_i32_1 = arith.constant 0 : i32
    return %c0_i32, %c0_i32_0 : i32, i32
  }
  func.func @transform_14(%arg0: i32) -> (i32, i32) {
    %c0_i32 = arith.constant 0 : i32
    %c0_i32_0 = arith.constant 0 : i32
    %c0_i32_1 = arith.constant 0 : i32
    return %c0_i32, %c0_i32_0 : i32, i32
  }
  func.func @transform_15(%arg0: i32) -> (i32, i32) {
    %c0_i32 = arith.constant 0 : i32
    %c0_i32_0 = arith.constant 0 : i32
    %c0_i32_1 = arith.constant 0 : i32
    return %c0_i32, %c0_i32_0 : i32, i32
  }
  func.func @transform_16(%arg0: i32) -> (i32, i32) {
    %c0_i32 = arith.constant 0 : i32
    %c0_i32_0 = arith.constant 0 : i32
    %c0_i32_1 = arith.constant 0 : i32
    return %c0_i32, %c0_i32_0 : i32, i32
  }
  func.func @transform_17(%arg0: i32) -> (i32, i32) {
    %c0_i32 = arith.constant 0 : i32
    %c0_i32_0 = arith.constant 0 : i32
    %c0_i32_1 = arith.constant 0 : i32
    return %c0_i32, %c0_i32_0 : i32, i32
  }
  func.func @transform_18(%arg0: i32) -> (i32, i32) {
    %c0_i32 = arith.constant 0 : i32
    %c0_i32_0 = arith.constant 0 : i32
    return %arg0, %c0_i32 : i32, i32
  }
}

</mosaic_0001>

<sc_bundles>
// kernel: kernel.7.cloned.1.call-start
scs
__scs_entry_jumppad:
0x0: {  	(pc) =	sbr.rel $0x88, $3  }
0x1: {  	(tag) =	ssettag $0x0;
	lr =	simm.s32 $0x1  }
0x2: {  	[smem:$0x3F8B] =	sst lr;
	_ =	strace $0xD0000000  }
0x3: {  	_ = 	snop  }
0x4: {  	_ = 	snop  }
0x5: {  	_ = 	snop  }
0x6: {  	_ = 	snop  }
0x7: {  	_ = 	snop  }
__scs_overlays_trampoline_lowered:
0x8: {  	[smem:$0x3F9A] =	sst s0  }
0x9: {  	[smem:$0x3F9B] =	sst s1  }
0xa: {  	[smem:$0x3F9C] =	sst s2  }
0xb: {  	[smem:$0x3F9D] =	sst s3  }
0xc: {  	[smem:$0x3F9E] =	sst s4  }
0xd: {  	[smem:$0x3F9F] =	sst s5  }
0xe: {  	[smem:$0x3FA0] =	sst s6  }
0xf: {  	[smem:$0x3FA1] =	sst s7  }
0x10: {  	[smem:$0x3FA2] =	sst s8  }
0x11: {  	[smem:$0x3FA3] =	sst s9;
	s0 =	simm.s32 @!p0 $0x0  }
0x12: {  	s1 =	sld [smem:$0x3F89];
	s0 =	simm.s32 @p0 $0x1  }
0x13: {  	[smem:$0x3FA4] =	sst s0;
	s0 =	simm.s32 @!p1 $0x0  }
0x14: {  	s2 =	sld [smem:$0x3F88];
	s0 =	simm.s32 @p1 $0x1  }
0x15: {  	[smem:$0x3FA5] =	sst s0;
	s0 =	simm.s32 @!p2 $0x0  }
0x16: {  	s3 =	sld [smem:$0x3FDB];
	s0 =	simm.s32 @p2 $0x1  }
0x17: {  	s4 =	simm.s32 $0x1BF5;
	[smem:$0x3FA7] =	sst s0  }
0x18: {  	s0 =	sld [smem:$0x3F8A];
	_ =	swait.ge [sflag:s4], $0x0  }
0x19: {  	s7 =	sld [smem:$0x3F8B]  }
0x1a: {  	s8 =	sadd.s32 $0xFFFFE003, lr  }
0x1b: {  	s9 =	sadd.s32 $0xFFFFFEF7, lr;
	s5 =	simm.s32 $0xFFFFFFFF;
	p2 =	slt.u32 s8, $0xFFFFF086  }
0x1c: {  	p1 =	slt.u32 s9, $0xF7A;
	s5 =	simm.s32 @!p2 $0x0  }
0x1d: {  	s5 =	simm.s32 @p1 $0x1;
	p0 =	seq.s32 s7, s2  }
0x1e: {  	s7 =	smul.u32 @!p0 $0xF7A, s2;
	p2 =	seq.s32 @!p0 s5, $0x0  }
0x1f: {  	s9 =	smul.u32 $0xF7A, s1;
	s8 =	simm.s32 @!p0 $0x1BF5;
	p2 =	por !p2, p0  }
0x20: {  	[sflag:s8] =	ssyncset.s32 @!p0 $0xFFFFF086;
	s6 =	sadd.s32 @!p0 s3, s7;
	s7 =	simm.s32 @!p0 $0x108  }
0x21: {  	s3 =	sadd.s32 s3, s9;
	s6 =	sadd.s32 @!p0 $0x88, s6;
	s7 =	simm.s32 @p2 $0x1082  }
0x22: {  	[simem:s7], [sflag:s8] =	dma.local @!p0 [hbm:s6], $0xF7A  }
0x23: {  	s9 =	sor.u32 $0xD0000000, s2;
	s6 =	simm.s32 $0x108;
	_ =	swait.ge @!p0 [sflag:s8], $0x0  }
0x24: {  	s3 =	sadd.s32 $0x88, s3;
	s6 =	simm.s32 @!p1 $0x1082;
	[sflag:s4] =	ssyncset.s32 $0xFFFFF086  }
0x25: {  	[simem:s6], [sflag:s4] =	dma.local [hbm:s3], $0xF7A  }
0x26: {  	[smem:$0x3F8B] =	sst s1;
	(tag) =	ssettag s2;
	_ =	strace s9  }
0x27: {  	s1 =	sld [smem:$0x3F9B]  }
0x28: {  	s2 =	sld [smem:$0x3F9C]  }
0x29: {  	s4 =	sld [smem:$0x3F9E]  }
0x2a: {  	p0 =	seq.s32 s5, $0x0;
	s5 =	sld [smem:$0x3F9F]  }
0x2b: {  	s6 =	sld [smem:$0x3FA0]  }
0x2c: {  	s7 =	sld [smem:$0x3FA1]  }
0x2d: {  	s3 =	simm.s32 $0x108;
	s8 =	sld [smem:$0x3FA2]  }
0x2e: {  	s3 =	simm.s32 @!p0 $0x1082;
	s9 =	sld [smem:$0x3FA3]  }
0x2f: {  	lr =	sadd.s32 s0, s3;
	s0 =	sld [smem:$0x3F9A]  }
0x30: {  	s3 =	sld [smem:$0x3F9D]  }
0x31: {  	[smem:$0x3FA6] =	sst s10  }
0x32: {  	s10 =	sld [smem:$0x3FA4];
	_ =	sdelay $0x3  }
0x33: {  	p0 =	seq.s32 s10, $0x1;
	s10 =	sld [smem:$0x3FA6];
	_ =	sdelay $0x3  }
0x34: {  	[smem:$0x3FA6] =	sst s10  }
0x35: {  	s10 =	sld [smem:$0x3FA5];
	_ =	sdelay $0x3  }
0x36: {  	p1 =	seq.s32 s10, $0x1;
	s10 =	sld [smem:$0x3FA6];
	_ =	sdelay $0x3  }
0x37: {  	[smem:$0x3FA6] =	sst s10  }
0x38: {  	s10 =	sld [smem:$0x3FA7]  }
0x39: {  	_ = 	snop;
	(pc) =	sbr.ind lr, $3  }
0x3a: {  	_ = 	snop  }
0x3b: {  	_ = 	snop  }
0x3c: {  	p2 =	seq.s32 s10, $0x1;
	s10 =	sld [smem:$0x3FA6]  }
0x3d: {  	_ =	shalt  }
0x3e: {  	_ =	shalt  }
0x3f: {  	_ =	shalt  }
0x40: {  	_ =	shalt  }
0x41: {  	_ =	shalt  }
0x42: {  	_ =	shalt  }
0x43: {  	_ =	shalt  }
0x44: {  	_ =	shalt  }
0x45: {  	_ =	shalt  }
0x46: {  	_ =	shalt  }
0x47: {  	_ =	shalt  }
0x48: {  	_ =	shalt  }
0x49: {  	_ =	shalt  }
0x4a: {  	_ =	shalt  }
0x4b: {  	_ =	shalt  }
0x4c: {  	_ =	shalt  }
0x4d: {  	_ =	shalt  }
0x4e: {  	_ =	shalt  }
0x4f: {  	_ =	shalt  }
0x50: {  	_ =	shalt  }
0x51: {  	_ =	shalt  }
0x52: {  	_ =	shalt  }
0x53: {  	_ =	shalt  }
0x54: {  	_ =	shalt  }
0x55: {  	_ =	shalt  }
0x56: {  	_ =	shalt  }
0x57: {  	_ =	shalt  }
0x58: {  	_ =	shalt  }
0x59: {  	_ =	shalt  }
0x5a: {  	_ =	shalt  }
0x5b: {  	_ =	shalt  }
0x5c: {  	_ =	shalt  }
0x5d: {  	_ =	shalt  }
0x5e: {  	_ =	shalt  }
0x5f: {  	_ =	shalt  }
0x60: {  	_ =	shalt  }
0x61: {  	_ =	shalt  }
0x62: {  	_ =	shalt  }
0x63: {  	_ =	shalt  }
0x64: {  	_ =	shalt  }
0x65: {  	_ =	shalt  }
0x66: {  	_ =	shalt  }
0x67: {  	_ =	shalt  }
0x68: {  	_ =	shalt  }
0x69: {  	_ =	shalt  }
0x6a: {  	_ =	shalt  }
0x6b: {  	_ =	shalt  }
0x6c: {  	_ =	shalt  }
0x6d: {  	_ =	shalt  }
0x6e: {  	_ =	shalt  }
0x6f: {  	_ =	shalt  }
0x70: {  	_ =	shalt  }
0x71: {  	_ =	shalt  }
0x72: {  	_ =	shalt  }
0x73: {  	_ =	shalt  }
0x74: {  	_ =	shalt  }
0x75: {  	_ =	shalt  }
0x76: {  	_ =	shalt  }
0x77: {  	_ =	shalt  }
0x78: {  	_ =	shalt  }
0x79: {  	_ =	shalt  }
0x7a: {  	_ =	shalt  }
0x7b: {  	_ =	shalt  }
0x7c: {  	_ =	shalt  }
0x7d: {  	_ =	shalt  }
0x7e: {  	_ =	shalt  }
0x7f: {  	_ =	shalt  }
0x80: {  	_ =	shalt  }
0x81: {  	_ =	shalt  }
0x82: {  	_ =	shalt  }
0x83: {  	_ =	shalt  }
0x84: {  	_ =	shalt  }
0x85: {  	_ =	shalt  }
0x86: {  	_ =	shalt  }
0x87: {  	_ =	shalt  }
.Lfunc_end0:
.L_simem_size_0:
called_computation_lowered:
.L_overlay_start_0:
0x88: {  	s2 =	sld [smem:$0x3FD9]  }
0x89: {  	s3 =	sld [smem:$0x3FFE];
	_ =	sdelay $0x1  }
0x8a: {  	s1 =	srdreg.scid  }
0x8b: {  	s0 =	sand.u32 $0x1, s1  }
0x8c: {  	s17 =	sshll.u32 s0, $0xA;
	s2 =	sadd.s32 s3, s2  }
0x8d: {  	s2 =	sadd.s32 s2, s17  }
0x8e: {  	[smem:$0x3FB2] =	sst s2  }
0x8f: {  	_ = 	snop  }
0x90: {  	s2 =	sld [smem:$0x3FC9]  }
0x91: {  	s18 =	sld [smem:$0x3FD0];
	(tm) =	ssettm $0x1  }
0x92: {  	s4 =	sld [smem:$0x3FFB];
	_ =	sdelay $0x3  }
0x93: {  	_ =	strace s4  }
0x94: {  	s4 =	sld [smem:$0x3FFC];
	_ =	sdelay $0x3  }
0x95: {  	_ =	strace s4  }
0x96: {  	s4 =	sld [smem:$0x3FFD];
	_ =	sdelay $0x3  }
0x97: {  	_ =	strace s4  }
0x98: {  	_ =	strace $0x8FFFFFFF  }
0x99: {  	s19 =	sld [smem:$0x3FDB];
	_ =	sdelay $0x1  }
0x9a: {  	s5 =	simm.s32 $_scs_section_size  }
0x9b: {  	s6 =	simm.s32 $_size__tile_overlayer_lowered;
	s7 =	simm.s32 $_tile_overlayer_lowered  }
0x9c: {  	s22 =	simm.s32 $0x1BFF;
	s21 =	sshll.u32 s7, $0x1;
	s4 =	sadd.s32 s5, s19  }
0x9d: {  	s8 =	simm.s32 $0x0;
	s20 =	sshll.u32 s6, $0x1;
	s6 =	sadd.s32 s21, s4  }
0x9e: {  	[timem:s8], [sflag:s22] =	dma.local [hbm:s6], s20  }
0x9f: {  	_ =	swait.ge [sflag:s22], s20  }
0xa0: {  	s5 =	ssub.s32 $0x0, s20;
	[sflag:s22] =	ssyncset.done $0x0  }
0xa1: {  	[sflag:s22] =	ssyncadd.s32 s5;
	_ =	sdelay $0x1  }
0xa2: {  	s23 =	simm.s32 $0x1B8B  }
0xa3: {  	_ =	swait.ge [sflag:s23], $0x1  }
0xa4: {  	[sflag:s23] =	ssyncset.done $0x0  }
0xa5: {  	s25 =	simm.s32 $0x1B8E;
	s24 =	sld [smem:$0x3FFE];
	[sflag:s23] =	ssyncadd.s32 $0xFFFFFFFF  }
0xa6: {  	s26 =	simm.s32 $execute0_lowered;
	[smem:$0x3FD2] =	sst s25  }
0xa7: {  	s6 =	sshll.u32 s26, $0x1;
	_ =	strace $0x80000046;
	[dreg:$0x1] =	wrdreg $0xFFFFFFFF  }
0xa8: {  	s28 =	simm.s32 $_size_execute0_lowered;
	s4 =	sadd.s32 s4, s6;
	[dreg:$0x0] =	wrdreg $0x0  }
0xa9: {  	s6 =	sshll.u32 s28, $0x1;
	[dreg:$0x2] =	wrdreg s4  }
0xaa: {  	[dreg:$0x3] =	wrdreg s6  }
0xab: {  	[dreg:$0x4] =	wrdreg $0xC0  }
0xac: {  	_ =	task [dreg:s8], $0x5FFFF  }
0xad: {  	[dreg:$0x1] =	wrdreg $0xFFFFFFFF  }
0xae: {  	[dreg:$0x0] =	wrdreg $0x60  }
0xaf: {  	[dreg:$0x2] =	wrdreg s2  }
0xb0: {  	[dreg:$0x3] =	wrdreg s24  }
0xb1: {  	[dreg:$0x4] =	wrdreg s18  }
0xb2: {  	[dreg:$0x5] =	wrdreg $0x114400  }
0xb3: {  	[dreg:$0x6] =	wrdreg $0x9  }
0xb4: {  	_ =	task.clear_ibuf [dreg:s8], $0x7FFFF;
	_ =	strace $0x90000046  }
0xb5: {  	s29 =	simm.s32 $0x9;
	_ =	strace $0x80000048  }
0xb6: {  	_ =	swait.ge [sflag:s29], $0x1  }
0xb7: {  	[sflag:s29] =	ssyncadd.s32 $0xFFFFFFFF  }
0xb8: {  	_ =	strace $0x90000048  }
0xb9: {  	_ =	sfence  }
0xba: {  	s30 =	sld [smem:$0x0];
	_ =	sdelay $0x2  }
0xbb: {  	s31 =	sshll.u32 s1, $0xD;
	s1 =	sshrl.u32 s1, $0x2  }
0xbc: {  	s3 =	sand.u32 $0x4000, s31;
	s1 =	sadd.s32 s1, s30  }
0xbd: {  	s0 =	sor.u32 s3, s0;
	s1 =	sshll.u32 s1, $0x11  }
0xbe: {  	s0 =	sor.u32 s1, s0  }
0xbf: {  	s0 =	sadd.s32 $0x8F2B, s0  }
0xc0: {  	[sflag:s0] =	ssyncadd.remote.s32 $0x1  }
0xc1: {  	_ =	sfence.sel $0xFFFF  }
0xc2: {  	[dreg:$0x0] =	wrdreg $0xFFFFFFFF;
	(pc) =	sbr.abs _section_cstart, $3  }
0xc3: {  	[dreg:$0x1] =	wrdreg $0xFFFFFFFF  }
0xc4: {  	_ =	task.clear_ibuf [dreg:s8], $0x2FFFF;
	_ =	strace $0x9FFFFFFF  }
0xc5: {  	(tm) =	ssettm $0x7FFFFFFF  }
tec
execute0_lowered:
.L_overlay_start_1:
0x0: {  	(tag) =	ssettag $0x1  }
0x1: {  	s1 =	rddreg [dreg:$0x0]  }
0x2: {  	s0 =	rddreg [dreg:$0x1]  }
0x3: {  	s6 =	rddreg [dreg:$0x2]  }
0x4: {  	s2 =	rddreg [dreg:$0x3]  }
0x5: {  	s3 =	simm.s32 $0x0;
	s7 =	stileid.u32;
	s4 =	srdreg.scid  }
0x6: {  	s15 =	simm.s32 $0x9C40;
	s16 =	simm.s32 $0xB040;
	s18 =	simm.s32 $0xC440  }
0x7: {  	s30 =	simm.s32 $0x10040;
	s31 =	simm.s32 $0x4;
	s17 =	simm.s32 $0x7  }
0x8: {  	s28 =	simm.s32 $0x8;
	s29 =	simm.s32 $0xB;
	s5 =	smul.u32 $0x9C4, s7  }
0x9: {  	[smem:$0x7FF] =	sst s3;
	s8 =	sand.u32 $0x1, s4;
	s11 =	smul.u32 $0x27100, s7  }
0xa: {  	s4 =	sadd.s32 $0x21000, s0;
	s23 =	sshll.u32 s7, $0x6;
	s12 =	smul.u32 $0x9C40, s7  }
0xb: {  	s14 =	sadd.s32 $0x9C400, s2;
	_ =	strace $0x80000047;
	s9 =	ssub.s32 $0x2, s8  }
0xc: {  	s21 =	smul.u32 $0x9C400, s8;
	p0 =	seq.s32 s8, $0x1;
	s10 =	sadd.s32 s5, s0  }
0xd: {  	s19 =	sshrl.u32 s9, $0x1;
	s22 =	sshrl.u32 s11, $0x2;
	s5 =	sor.u32 $0x1C0D, s23  }
0xe: {  	s11 =	simm.s32 $0xD;
	s23 =	simm.s32 $0x5;
	s20 =	ssub.s32 s9, s19  }
0xf: {  	s13 =	sadd.s32 s22, s2;
	s24 =	sadd.s32 s12, s21;
	s9 =	simm.s32 $0x17200  }
0x10: {  	s25 =	sadd.s32 $0x3600, s10;
	s19 =	simm.s32 $0x1;
	s21 =	simm.s32 $0xD840  }
0x11: {  	s22 =	simm.s32 $0x2;
	[dreg:$0x5] =	wrdreg s25;
	s8 =	sshrl.u32 s24, $0x3  }
0x12: {  	s9 =	simm.s32 @!p0 $0xD400;
	s0 =	smax.u32 s20, $0x1;
	p0 =	sne.s32 s7, $0x0  }
0x13: {  	s25 =	simm.s32 $0xEC40;
	s24 =	simm.s32 $0x9;
	s20 =	simm.s32 $0xA  }
0x14: {  	s7 =	simm.s32 $0x0;
	s6 =	sadd.s32 s6, s8;
	[dreg:$0x7] =	wrdreg s0  }
0x15: {  	s26 =	sadd.s32 s9, s10;
	s10 =	sshrl.u32 s13, $0x3;
	s12 =	sshrl.u32 @!p0 s14, $0x3  }
0x16: {  	s14 =	simm.s32 $0x50;
	s0 =	simm.s32 $0x6;
	[dreg:$0x6] =	wrdreg s6  }
0x17: {  	[dreg:$0x8] =	wrdreg s26;
	s26 =	simm.s32 $0x3;
	s6 =	simm.s32 $0xC  }
.LBB2_1:
0x18: {  	[spmem:s10], [sflag:s5] =	dma.local [hbm:s4], $0x1388  }
0x19: {  	_ =	swait.ge [sflag:s11], $0x1388  }
0x1a: {  	[sflag:s11] =	ssyncset.done $0x0  }
0x1b: {  	s8 =	simm.s32 @!p0 $0xD;
	[sflag:s11] =	ssyncadd.s32 $0xFFFFEC78  }
0x1c: {  	[spmem:s12], [sflag:s5] =	dma.local @!p0 [hbm:s4], $0x40  }
0x1d: {  	_ =	swait.ge @!p0 [sflag:s8], $0x40  }
0x1e: {  	[sflag:s8] =	ssyncset.done @!p0 $0x0  }
0x1f: {  	s9 =	rddreg [dreg:$0x8];
	[sflag:s8] =	ssyncadd.s32 @!p0 $0xFFFFFFC0  }
0x20: {  	[tilespmem:s3], [sflag:$0xD] =	stream.linear.gather [hbm4b:s9+s3], $0x4E20, $0x38;
	[tilespmem:$0x1B0A0] =	vst v63  }
0x21: {  	_ =	swait.ge [sflag:s11], $0x4E20  }
0x22: {  	[sflag:s11] =	ssyncset.done $0x0  }
0x23: {  	s9 =	simm.s32 $0x4E20;
	s13 =	rddreg [dreg:$0x5];
	[sflag:s11] =	ssyncadd.s32 $0xFFFFB1E0  }
0x24: {  	[tilespmem:s9], [sflag:$0xD] =	stream.linear.gather [hbm4b:s13+s3], $0x4E20, $0x38;
	[tilespmem:$0x1B0A0] =	vst v63  }
0x25: {  	_ =	swait.ge [sflag:s11], $0x4E20  }
0x26: {  	[sflag:s11] =	ssyncset.done $0x0  }
0x27: {  	[sflag:s11] =	ssyncadd.s32 $0xFFFFB1E0  }
0x28: {  	[bflag:$0x0] =	sbarrier.arrive $0xFFFF  }
0x29: {  	[tilespmem:s15], [sflag:$0x1] =	stream.indirect.gather [hbm4b:s1+s14], $0x40, s3, s14, $0xb8;
	[tilespmem:$0x1B0A0] =	vst v63  }
0x2a: {  	_ = 	snop  }
0x2b: {  	[tilespmem:s16], [sflag:$0x2] =	stream.indirect.gather [hbm4b:s1+s14], $0x40, s14, s14, $0xb8;
	[tilespmem:$0x1B0A0] =	vst v63  }
0x2c: {  	s13 =	simm.s32 $0xA0  }
0x2d: {  	[tilespmem:s18], [sflag:$0x3] =	stream.indirect.gather [hbm4b:s1+s14], $0x40, s13, s14, $0xb8;
	[tilespmem:$0x1B0A0] =	vst v63  }
0x2e: {  	_ =	swait.ge [sflag:s19], $0x1400  }
0x2f: {  	[sflag:s19] =	ssyncset.done $0x0  }
0x30: {  	[sflag:s19] =	ssyncadd.s32 $0xFFFFEC00  }
0x31: {  	[spmem:s2] =	stream.indirect.scatter.add.f32 [tilespmem:s15], [sflag:$0x7], $0x40, s9, s14, $0xb8;
	[tilespmem:$0x1B0A0] =	vst v63  }
0x32: {  	s9 =	simm.s32 $0xF0  }
0x33: {  	[tilespmem:s21], [sflag:$0x4] =	stream.indirect.gather [hbm4b:s1+s14], $0x40, s9, s14, $0xb8;
	[tilespmem:$0x1B0A0] =	vst v63  }
0x34: {  	_ =	swait.ge [sflag:s22], $0x1400  }
0x35: {  	[sflag:s22] =	ssyncset.done $0x0  }
0x36: {  	s13 =	simm.s32 $0x4E70;
	[sflag:s22] =	ssyncadd.s32 $0xFFFFEC00  }
0x37: {  	[spmem:s2] =	stream.indirect.scatter.add.f32 [tilespmem:s16], [sflag:$0x8], $0x40, s13, s14, $0xb8;
	[tilespmem:$0x1B0A0] =	vst v63  }
0x38: {  	s9 =	simm.s32 $0x140  }
0x39: {  	[tilespmem:s25], [sflag:$0x5] =	stream.indirect.gather [hbm4b:s1+s14], $0x40, s9, s14, $0xb8;
	[tilespmem:$0x1B0A0] =	vst v63  }
0x3a: {  	_ =	swait.ge [sflag:s26], $0x1400  }
0x3b: {  	[sflag:s26] =	ssyncset.done $0x0  }
0x3c: {  	s13 =	simm.s32 $0x4EC0;
	[sflag:s26] =	ssyncadd.s32 $0xFFFFEC00  }
0x3d: {  	[spmem:s2] =	stream.indirect.scatter.add.f32 [tilespmem:s18], [sflag:$0x9], $0x40, s13, s14, $0xb8;
	[tilespmem:$0x1B0A0] =	vst v63  }
0x3e: {  	s9 =	simm.s32 $0x190  }
0x3f: {  	[tilespmem:s30], [sflag:$0x6] =	stream.indirect.gather [hbm4b:s1+s14], $0x40, s9, s14, $0xb8;
	[tilespmem:$0x1B0A0] =	vst v63  }
0x40: {  	_ =	swait.ge [sflag:s31], $0x1400  }
0x41: {  	[sflag:s31] =	ssyncset.done $0x0  }
0x42: {  	s13 =	simm.s32 $0x4F10;
	[sflag:s31] =	ssyncadd.s32 $0xFFFFEC00  }
0x43: {  	[spmem:s2] =	stream.indirect.scatter.add.f32 [tilespmem:s21], [sflag:$0xA], $0x40, s13, s14, $0xb8;
	[tilespmem:$0x1B0A0] =	vst v63  }
0x44: {  	_ =	swait.ge [sflag:s17], $0x1400  }
0x45: {  	[sflag:s17] =	ssyncset.done $0x0  }
0x46: {  	s9 =	simm.s32 $0x1E0;
	[sflag:s17] =	ssyncadd.s32 $0xFFFFEC00  }
0x47: {  	[tilespmem:s15], [sflag:$0x1] =	stream.indirect.gather [hbm4b:s1+s14], $0x40, s9, s14, $0xb8;
	[tilespmem:$0x1B0A0] =	vst v63  }
0x48: {  	_ =	swait.ge [sflag:s23], $0x1400  }
0x49: {  	[sflag:s23] =	ssyncset.done $0x0  }
0x4a: {  	s13 =	simm.s32 $0x4F60;
	[sflag:s23] =	ssyncadd.s32 $0xFFFFEC00  }
0x4b: {  	[spmem:s2] =	stream.indirect.scatter.add.f32 [tilespmem:s25], [sflag:$0xB], $0x40, s13, s14, $0xb8;
	[tilespmem:$0x1B0A0] =	vst v63  }
0x4c: {  	_ =	swait.ge [sflag:s28], $0x1400  }
0x4d: {  	[sflag:s28] =	ssyncset.done $0x0  }
0x4e: {  	s9 =	simm.s32 $0x230;
	[sflag:s28] =	ssyncadd.s32 $0xFFFFEC00  }
0x4f: {  	[tilespmem:s16], [sflag:$0x2] =	stream.indirect.gather [hbm4b:s1+s14], $0x40, s9, s14, $0xb8;
	[tilespmem:$0x1B0A0] =	vst v63  }
0x50: {  	_ =	swait.ge [sflag:s0], $0x1400  }
0x51: {  	[sflag:s0] =	ssyncset.done $0x0  }
0x52: {  	s13 =	simm.s32 $0x4FB0;
	[sflag:s0] =	ssyncadd.s32 $0xFFFFEC00  }
0x53: {  	[spmem:s2] =	stream.indirect.scatter.add.f32 [tilespmem:s30], [sflag:$0xC], $0x40, s13, s14, $0xb8;
	[tilespmem:$0x1B0A0] =	vst v63  }
0x54: {  	_ =	swait.ge [sflag:s24], $0x1400  }
0x55: {  	[sflag:s24] =	ssyncset.done $0x0  }
0x56: {  	s9 =	simm.s32 $0x280;
	[sflag:s24] =	ssyncadd.s32 $0xFFFFEC00  }
0x57: {  	[tilespmem:s18], [sflag:$0x3] =	stream.indirect.gather [hbm4b:s1+s14], $0x40, s9, s14, $0xb8;
	[tilespmem:$0x1B0A0] =	vst v63  }
0x58: {  	_ =	swait.ge [sflag:s19], $0x1400  }
0x59: {  	[sflag:s19] =	ssyncset.done $0x0  }
0x5a: {  	s13 =	simm.s32 $0x5000;
	[sflag:s19] =	ssyncadd.s32 $0xFFFFEC00  }
0x5b: {  	[spmem:s2] =	stream.indirect.scatter.add.f32 [tilespmem:s15], [sflag:$0x7], $0x40, s13, s14, $0xb8;
	[tilespmem:$0x1B0A0] =	vst v63  }
0x5c: {  	_ =	swait.ge [sflag:s20], $0x1400  }
0x5d: {  	[sflag:s20] =	ssyncset.done $0x0  }
0x5e: {  	s9 =	simm.s32 $0x2D0;
	[sflag:s20] =	ssyncadd.s32 $0xFFFFEC00  }
0x5f: {  	[tilespmem:s21], [sflag:$0x4] =	stream.indirect.gather [hbm4b:s1+s14], $0x40, s9, s14, $0xb8;
	[tilespmem:$0x1B0A0] =	vst v63  }
0x60: {  	_ =	swait.ge [sflag:s22], $0x1400  }
0x61: {  	[sflag:s22] =	ssyncset.done $0x0  }
0x62: {  	s13 =	simm.s32 $0x5050;
	[sflag:s22] =	ssyncadd.s32 $0xFFFFEC00  }
0x63: {  	[spmem:s2] =	stream.indirect.scatter.add.f32 [tilespmem:s16], [sflag:$0x8], $0x40, s13, s14, $0xb8;
	[tilespmem:$0x1B0A0] =	vst v63  }
0x64: {  	_ =	swait.ge [sflag:s29], $0x1400  }
0x65: {  	[sflag:s29] =	ssyncset.done $0x0  }
0x66: {  	s9 =	simm.s32 $0x320;
	[sflag:s29] =	ssyncadd.s32 $0xFFFFEC00  }
0x67: {  	[tilespmem:s25], [sflag:$0x5] =	stream.indirect.gather [hbm4b:s1+s14], $0x40, s9, s14, $0xb8;
	[tilespmem:$0x1B0A0] =	vst v63  }
0x68: {  	_ =	swait.ge [sflag:s26], $0x1400  }
0x69: {  	[sflag:s26] =	ssyncset.done $0x0  }
0x6a: {  	s13 =	simm.s32 $0x50A0;
	[sflag:s26] =	ssyncadd.s32 $0xFFFFEC00  }
0x6b: {  	[spmem:s2] =	stream.indirect.scatter.add.f32 [tilespmem:s18], [sflag:$0x9], $0x40, s13, s14, $0xb8;
	[tilespmem:$0x1B0A0] =	vst v63  }
0x6c: {  	_ =	swait.ge [sflag:s6], $0x1400  }
0x6d: {  	[sflag:s6] =	ssyncset.done $0x0  }
0x6e: {  	s9 =	simm.s32 $0x370;
	[sflag:s6] =	ssyncadd.s32 $0xFFFFEC00  }
0x6f: {  	[tilespmem:s30], [sflag:$0x6] =	stream.indirect.gather [hbm4b:s1+s14], $0x40, s9, s14, $0xb8;
	[tilespmem:$0x1B0A0] =	vst v63  }
0x70: {  	_ =	swait.ge [sflag:s31], $0x1400  }
0x71: {  	[sflag:s31] =	ssyncset.done $0x0  }
0x72: {  	s13 =	simm.s32 $0x50F0;
	[sflag:s31] =	ssyncadd.s32 $0xFFFFEC00  }
0x73: {  	[spmem:s2] =	stream.indirect.scatter.add.f32 [tilespmem:s21], [sflag:$0xA], $0x40, s13, s14, $0xb8;
	[tilespmem:$0x1B0A0] =	vst v63  }
0x74: {  	_ =	swait.ge [sflag:s17], $0x1400  }
0x75: {  	[sflag:s17] =	ssyncset.done $0x0  }
0x76: {  	s9 =	simm.s32 $0x3C0;
	[sflag:s17] =	ssyncadd.s32 $0xFFFFEC00  }
0x77: {  	[tilespmem:s15], [sflag:$0x1] =	stream.indirect.gather [hbm4b:s1+s14], $0x40, s9, s14, $0xb8;
	[tilespmem:$0x1B0A0] =	vst v63  }
0x78: {  	_ =	swait.ge [sflag:s23], $0x1400  }
0x79: {  	[sflag:s23] =	ssyncset.done $0x0  }
0x7a: {  	s13 =	simm.s32 $0x5140;
	[sflag:s23] =	ssyncadd.s32 $0xFFFFEC00  }
0x7b: {  	[spmem:s2] =	stream.indirect.scatter.add.f32 [tilespmem:s25], [sflag:$0xB], $0x40, s13, s14, $0xb8;
	[tilespmem:$0x1B0A0] =	vst v63  }
0x7c: {  	_ =	swait.ge [sflag:s28], $0x1400  }
0x7d: {  	[sflag:s28] =	ssyncset.done $0x0  }
0x7e: {  	s9 =	simm.s32 $0x410;
	[sflag:s28] =	ssyncadd.s32 $0xFFFFEC00  }
0x7f: {  	[tilespmem:s16], [sflag:$0x2] =	stream.indirect.gather [hbm4b:s1+s14], $0x40, s9, s14, $0xb8;
	[tilespmem:$0x1B0A0] =	vst v63  }
0x80: {  	_ =	swait.ge [sflag:s0], $0x1400  }
0x81: {  	[sflag:s0] =	ssyncset.done $0x0  }
0x82: {  	s13 =	simm.s32 $0x5190;
	[sflag:s0] =	ssyncadd.s32 $0xFFFFEC00  }
0x83: {  	[spmem:s2] =	stream.indirect.scatter.add.f32 [tilespmem:s30], [sflag:$0xC], $0x40, s13, s14, $0xb8;
	[tilespmem:$0x1B0A0] =	vst v63  }
0x84: {  	_ =	swait.ge [sflag:s24], $0x1400  }
0x85: {  	[sflag:s24] =	ssyncset.done $0x0  }
0x86: {  	s8 =	simm.s32 $0x780;
	s13 =	simm.s32 $0x460;
	[sflag:s24] =	ssyncadd.s32 $0xFFFFEC00  }
.LBB2_2:
0x87: {  	[tilespmem:s18], [sflag:$0x3] =	stream.indirect.gather [hbm4b:s1+s14], $0x40, s13, s14, $0xb8;
	[tilespmem:$0x1B0A0] =	vst v63  }
0x88: {  	s13 =	smov.u32 s8  }
0x89: {  	p1 =	sne.s32 s8, $0x12480;
	s8 =	sadd.s32 $0x780, s8;
	_ =	swait.ge [sflag:s19], $0x1400  }
0x8a: {  	s13 =	sshra.s32 s13, $0x2;
	[sflag:s19] =	ssyncset.done $0x0  }
0x8b: {  	s9 =	sadd.s32 $0x5000, s13;
	[sflag:s19] =	ssyncadd.s32 $0xFFFFEC00  }
0x8c: {  	[spmem:s2] =	stream.indirect.scatter.add.f32 [tilespmem:s15], [sflag:$0x7], $0x40, s9, s14, $0xb8;
	[tilespmem:$0x1B0A0] =	vst v63  }
0x8d: {  	_ =	swait.ge [sflag:s20], $0x1400  }
0x8e: {  	[sflag:s20] =	ssyncset.done $0x0  }
0x8f: {  	s9 =	sadd.s32 $0x2D0, s13;
	[sflag:s20] =	ssyncadd.s32 $0xFFFFEC00  }
0x90: {  	[tilespmem:s21], [sflag:$0x4] =	stream.indirect.gather [hbm4b:s1+s14], $0x40, s9, s14, $0xb8;
	[tilespmem:$0x1B0A0] =	vst v63  }
0x91: {  	_ =	swait.ge [sflag:s22], $0x1400  }
0x92: {  	[sflag:s22] =	ssyncset.done $0x0  }
0x93: {  	s9 =	sadd.s32 $0x5050, s13;
	[sflag:s22] =	ssyncadd.s32 $0xFFFFEC00  }
0x94: {  	[spmem:s2] =	stream.indirect.scatter.add.f32 [tilespmem:s16], [sflag:$0x8], $0x40, s9, s14, $0xb8;
	[tilespmem:$0x1B0A0] =	vst v63  }
0x95: {  	_ =	swait.ge [sflag:s29], $0x1400  }
0x96: {  	[sflag:s29] =	ssyncset.done $0x0  }
0x97: {  	s9 =	sadd.s32 $0x320, s13;
	[sflag:s29] =	ssyncadd.s32 $0xFFFFEC00  }
0x98: {  	[tilespmem:s25], [sflag:$0x5] =	stream.indirect.gather [hbm4b:s1+s14], $0x40, s9, s14, $0xb8;
	[tilespmem:$0x1B0A0] =	vst v63  }
0x99: {  	_ =	swait.ge [sflag:s26], $0x1400  }
0x9a: {  	[sflag:s26] =	ssyncset.done $0x0  }
0x9b: {  	s9 =	sadd.s32 $0x50A0, s13;
	[sflag:s26] =	ssyncadd.s32 $0xFFFFEC00  }
0x9c: {  	[spmem:s2] =	stream.indirect.scatter.add.f32 [tilespmem:s18], [sflag:$0x9], $0x40, s9, s14, $0xb8;
	[tilespmem:$0x1B0A0] =	vst v63  }
0x9d: {  	_ =	swait.ge [sflag:s6], $0x1400  }
0x9e: {  	[sflag:s6] =	ssyncset.done $0x0  }
0x9f: {  	s9 =	sadd.s32 $0x370, s13;
	[sflag:s6] =	ssyncadd.s32 $0xFFFFEC00  }
0xa0: {  	[tilespmem:s30], [sflag:$0x6] =	stream.indirect.gather [hbm4b:s1+s14], $0x40, s9, s14, $0xb8;
	[tilespmem:$0x1B0A0] =	vst v63  }
0xa1: {  	_ =	swait.ge [sflag:s31], $0x1400  }
0xa2: {  	[sflag:s31] =	ssyncset.done $0x0  }
0xa3: {  	s9 =	sadd.s32 $0x50F0, s13;
	[sflag:s31] =	ssyncadd.s32 $0xFFFFEC00  }
0xa4: {  	[spmem:s2] =	stream.indirect.scatter.add.f32 [tilespmem:s21], [sflag:$0xA], $0x40, s9, s14, $0xb8;
	[tilespmem:$0x1B0A0] =	vst v63  }
0xa5: {  	_ =	swait.ge [sflag:s17], $0x1400  }
0xa6: {  	[sflag:s17] =	ssyncset.done $0x0  }
0xa7: {  	s9 =	sadd.s32 $0x3C0, s13;
	[sflag:s17] =	ssyncadd.s32 $0xFFFFEC00  }
0xa8: {  	[tilespmem:s15], [sflag:$0x1] =	stream.indirect.gather [hbm4b:s1+s14], $0x40, s9, s14, $0xb8;
	[tilespmem:$0x1B0A0] =	vst v63  }
0xa9: {  	_ =	swait.ge [sflag:s23], $0x1400  }
0xaa: {  	[sflag:s23] =	ssyncset.done $0x0  }
0xab: {  	s9 =	sadd.s32 $0x5140, s13;
	[sflag:s23] =	ssyncadd.s32 $0xFFFFEC00  }
0xac: {  	[spmem:s2] =	stream.indirect.scatter.add.f32 [tilespmem:s25], [sflag:$0xB], $0x40, s9, s14, $0xb8;
	[tilespmem:$0x1B0A0] =	vst v63  }
0xad: {  	_ =	swait.ge [sflag:s28], $0x1400  }
0xae: {  	[sflag:s28] =	ssyncset.done $0x0  }
0xaf: {  	s9 =	sadd.s32 $0x410, s13;
	[sflag:s28] =	ssyncadd.s32 $0xFFFFEC00  }
0xb0: {  	[tilespmem:s16], [sflag:$0x2] =	stream.indirect.gather [hbm4b:s1+s14], $0x40, s9, s14, $0xb8;
	[tilespmem:$0x1B0A0] =	vst v63  }
0xb1: {  	_ =	swait.ge [sflag:s0], $0x1400  }
0xb2: {  	[sflag:s0] =	ssyncset.done $0x0  }
.Ltmp0:
0xb3: {  	s9 =	sadd.s32 $0x5190, s13;
	[sflag:s0] =	ssyncadd.s32 $0xFFFFEC00;
	(pc) =	sbr.rel @p1 .LBB2_2-.Ltmp0, $4  }
0xb4: {  	[spmem:s2] =	stream.indirect.scatter.add.f32 [tilespmem:s30], [sflag:$0xC], $0x40, s9, s14, $0xb8;
	[tilespmem:$0x1B0A0] =	vst v63  }
0xb5: {  	_ =	swait.ge [sflag:s24], $0x1400  }
0xb6: {  	[sflag:s24] =	ssyncset.done $0x0  }
0xb7: {  	s13 =	sadd.s32 $0x460, s13;
	[sflag:s24] =	ssyncadd.s32 $0xFFFFEC00  }
0xb8: {  	[tilespmem:s18], [sflag:$0x3] =	stream.indirect.gather [hbm4b:s1+s14], $0x40, s13, s14, $0xb8;
	[tilespmem:$0x1B0A0] =	vst v63  }
0xb9: {  	_ =	swait.ge [sflag:s19], $0x1400  }
0xba: {  	[sflag:s19] =	ssyncset.done $0x0  }
0xbb: {  	s8 =	simm.s32 $0x9B00;
	[sflag:s19] =	ssyncadd.s32 $0xFFFFEC00  }
0xbc: {  	[spmem:s2] =	stream.indirect.scatter.add.f32 [tilespmem:s15], [sflag:$0x7], $0x40, s8, s14, $0xb8;
	[tilespmem:$0x1B0A0] =	vst v63  }
0xbd: {  	_ =	swait.ge [sflag:s20], $0x1400  }
0xbe: {  	[sflag:s20] =	ssyncset.done $0x0  }
0xbf: {  	s9 =	simm.s32 $0x4DD0;
	[sflag:s20] =	ssyncadd.s32 $0xFFFFEC00  }
0xc0: {  	[tilespmem:s21], [sflag:$0x4] =	stream.indirect.gather [hbm4b:s1+s14], $0x40, s9, s14, $0xb8;
	[tilespmem:$0x1B0A0] =	vst v63  }
0xc1: {  	_ =	swait.ge [sflag:s22], $0x1400  }
0xc2: {  	[sflag:s22] =	ssyncset.done $0x0  }
0xc3: {  	s13 =	simm.s32 $0x9B50;
	[sflag:s22] =	ssyncadd.s32 $0xFFFFEC00  }
0xc4: {  	[spmem:s2] =	stream.indirect.scatter.add.f32 [tilespmem:s16], [sflag:$0x8], $0x40, s13, s14, $0xb8;
	[tilespmem:$0x1B0A0] =	vst v63  }
0xc5: {  	_ =	swait.ge [sflag:s29], $0x1400  }
0xc6: {  	[sflag:s29] =	ssyncset.done $0x0  }
0xc7: {  	[sflag:s29] =	ssyncadd.s32 $0xFFFFEC00  }
0xc8: {  	_ =	swait.ge [sflag:s26], $0x1400  }
0xc9: {  	[sflag:s26] =	ssyncset.done $0x0  }
0xca: {  	s9 =	simm.s32 $0x9BA0;
	[sflag:s26] =	ssyncadd.s32 $0xFFFFEC00  }
0xcb: {  	[spmem:s2] =	stream.indirect.scatter.add.f32 [tilespmem:s18], [sflag:$0x9], $0x40, s9, s14, $0xb8;
	[tilespmem:$0x1B0A0] =	vst v63  }
0xcc: {  	_ =	swait.ge [sflag:s6], $0x1400  }
0xcd: {  	[sflag:s6] =	ssyncset.done $0x0  }
0xce: {  	[sflag:s6] =	ssyncadd.s32 $0xFFFFEC00  }
0xcf: {  	_ =	swait.ge [sflag:s31], $0x1400  }
0xd0: {  	[sflag:s31] =	ssyncset.done $0x0  }
0xd1: {  	s13 =	simm.s32 $0x9BF0;
	[sflag:s31] =	ssyncadd.s32 $0xFFFFEC00  }
0xd2: {  	[spmem:s2] =	stream.indirect.scatter.add.f32 [tilespmem:s21], [sflag:$0xA], $0x40, s13, s14, $0xb8;
	[tilespmem:$0x1B0A0] =	vst v63  }
0xd3: {  	_ =	swait.ge [sflag:s17], $0x1400  }
0xd4: {  	[sflag:s17] =	ssyncset.done $0x0  }
0xd5: {  	[sflag:s17] =	ssyncadd.s32 $0xFFFFEC00  }
0xd6: {  	_ =	swait.ge [sflag:s28], $0x1400  }
0xd7: {  	[sflag:s28] =	ssyncset.done $0x0  }
0xd8: {  	[sflag:s28] =	ssyncadd.s32 $0xFFFFEC00  }
0xd9: {  	_ =	swait.ge [sflag:s24], $0x1400  }
0xda: {  	[sflag:s24] =	ssyncset.done $0x0  }
0xdb: {  	[sflag:s24] =	ssyncadd.s32 $0xFFFFEC00  }
0xdc: {  	_ =	swait.ge [sflag:s20], $0x1400  }
0xdd: {  	[sflag:s20] =	ssyncset.done $0x0  }
0xde: {  	[sflag:s20] =	ssyncadd.s32 $0xFFFFEC00  }
0xdf: {  	[bflag:$0x0] =	sbarrier.arrive $0xFFFF  }
0xe0: {  	s9 =	rddreg [dreg:$0x6]  }
0xe1: {  	[hbm:s9], [sflag:s5] =	dma.local [spmem:s10], $0x1388  }
0xe2: {  	_ =	swait.ge [sflag:s11], $0x1388  }
0xe3: {  	s7 =	sadd.s32 $0x1, s7;
	s13 =	rddreg [dreg:$0x7]  }
0xe4: {  	p1 =	sne.s32 s7, s13  }
.Ltmp1:
0xe5: {  	_ = 	snop;
	(pc) =	sbr.rel @p1 .LBB2_1-.Ltmp1, $3  }
0xe6: {  	_ =	sdelay $0x1  }
0xe7: {  	[sflag:s11] =	ssyncset.done $0x0  }
0xe8: {  	[sflag:s11] =	ssyncadd.s32 $0xFFFFEC78  }
0xe9: {  	_ =	sfence.sel $0x180000  }
0xea: {  	[bflag:$0x0] =	sbarrier.arrive $0xFFFF  }
0xeb: {  	_ =	strace $0x90000047  }
0xec: {  	[bflag:$0x2] =	sbarrier.arrive $0xFFFF  }
0xed: {  	s0 =	rddreg [dreg:$0x4]  }
0xee: {  	s0 =	sadd.s32 @!p0 $0x100000, s0  }
0xef: {  	[sflag:s0] =	ssyncadd.tile.s32 @!p0 $0x1;
	_ =	shalt  }
.Lfunc_end2:
_tile_overlayer_lowered:
.L_overlay_start_2:
0xf0: {  	(tag) =	ssettag $0x2  }
0xf1: {  	s0 =	rddreg [dreg:$0x0];
	s2 =	stileid.u32  }
0xf2: {  	s1 =	rddreg [dreg:$0x1];
	p0 =	sne.s32 s2, $0x0  }
0xf3: {  	s3 =	rddreg [dreg:$0x2];
	[bflag:$0x3] =	sbarrier.arrive $0xFFFF;
	s2 =	simm.s32 @!p0 $0x1C0D  }
0xf4: {  	[timem:s3], [sflag:s2] =	dma.local @!p0 [hbm:s0], s1  }
0xf5: {  	s0 =	simm.s32 @!p0 $0xD  }
0xf6: {  	_ =	swait.ge @!p0 [sflag:s0], s1  }
0xf7: {  	s1 =	ssub.s32 @!p0 $0x0, s1;
	[sflag:s0] =	ssyncset.done @!p0 $0x0  }
0xf8: {  	[sflag:s0] =	ssyncadd.s32 @!p0 s1  }
0xf9: {  	[bflag:$0x3] =	sbarrier.arrive $0xFFFF  }
0xfa: {  	_ =	shalt  }

</sc_bundles>
